<compile_context>
chip_gen: v7x
topology: tpu7x:2x2x1
jax: 0.10.2.dev20260603
libtpu: 0.0.44.dev20260713+nightly
codegen_flags: <defaults>
</compile_context>

<pallas_src>
import functools

import jax
import jax.numpy as jnp
from jax import lax
from jax.experimental import pallas as pl
from jax.experimental.pallas import tpu as pltpu
from jax.experimental.pallas import tpu_sc as plsc

NC = 2
NS = 16
NW = NC * NS

B = 4096 * 200
D = 128
CH = 100
G = 2
GRP = G * CH
BPW = B // NW
NCH = BPW // CH
NGRP = BPW // GRP
NBUF = 3

_mesh = plsc.VectorSubcoreMesh(
    core_axis_name="c", subcore_axis_name="s", num_cores=NC, num_subcores=NS
)


@functools.partial(
    pl.kernel,
    mesh=_mesh,
    out_type=jax.ShapeDtypeStruct((B, D), jnp.float32),
    scratch_types=[
        pltpu.VMEM((NCH, CH), jnp.int32),
        pltpu.VMEM((GRP, D), jnp.float32),
        pltpu.VMEM((GRP, D), jnp.float32),
        pltpu.VMEM((GRP, D), jnp.float32),
        pltpu.VMEM_SHARED((1001, D), jnp.float32),
        pltpu.SemaphoreType.DMA,
        pltpu.SemaphoreType.DMA,
        pltpu.SemaphoreType.DMA,
        pltpu.SemaphoreType.DMA,
        pltpu.SemaphoreType.DMA,
        pltpu.SemaphoreType.DMA,
    ],
)
def _embed_sc(idx_hbm, table_hbm, out_hbm, idx_v, r0, r1, r2, table_sh,
              g0, g1, g2, s0, s1, s2):
    rows = (r0, r1, r2)
    gsem = (g0, g1, g2)
    ssem = (s0, s1, s2)
    sid = lax.axis_index("s")
    wid = sid * NC + lax.axis_index("c")
    base = wid * BPW

    @pl.when(sid == 0)
    def _():
        pltpu.sync_copy(table_hbm, table_sh)

    pltpu.sync_copy(idx_hbm.at[pl.ds(wid * NCH, NCH)], idx_v)
    plsc.subcore_barrier()

    def fire_gathers(g, buf):
        for b in range(G):
            pltpu.async_copy(
                table_sh.at[idx_v.at[g * G + b]],
                rows[buf].at[pl.ds(b * CH, CH)],
                gsem[buf],
            )

    def step(g, cur, wait_prev, fire_next):
        prev = (cur - 1) % NBUF
        for b in range(G):
            pltpu.make_async_copy(
                table_hbm.at[idx_v.at[b]],
                rows[cur].at[pl.ds(b * CH, CH)],
                gsem[cur],
            ).wait()
        pltpu.async_copy(
            rows[cur], out_hbm.at[pl.ds(base + g * GRP, GRP)], ssem[cur]
        )
        if wait_prev:
            pltpu.make_async_copy(
                rows[prev], out_hbm.at[pl.ds(base, GRP)], ssem[prev]
            ).wait()
        if fire_next:
            fire_gathers(g + 2, prev)

    fire_gathers(0, 0)
    fire_gathers(1, 1)

    step(0, 0, wait_prev=False, fire_next=True)

    def body(t, carry):
        for b in range(NBUF):
            g = 1 + t * NBUF + b
            step(g, (1 + b) % NBUF, wait_prev=True, fire_next=True)
        return carry

    lax.fori_loop(0, (NGRP - 5) // NBUF, body, 0)

    for g in (NGRP - 4, NGRP - 3):
        step(g, g % NBUF, wait_prev=True, fire_next=True)
    for g in (NGRP - 2, NGRP - 1):
        step(g, g % NBUF, wait_prev=True, fire_next=False)

    pltpu.make_async_copy(
        rows[(NGRP - 1) % NBUF], out_hbm.at[pl.ds(base, GRP)],
        ssem[(NGRP - 1) % NBUF],
    ).wait()


def kernel(atype, weight):
    idx2d = atype.reshape(B // CH, CH)
    out = _embed_sc(idx2d, weight)
    return out.reshape(atype.shape[0], atype.shape[1], D)

# --- scband reference (transcript-rebuilt; emitter-appended) ---
"""Pipeline reference for scband-type-embed-net-54125177864972 (READ-ONLY COPY).

The authoritative reference and input builder live on the scoring server;
editing this copy changes nothing except your own understanding.
"""

import jax, jax.numpy as jnp
import numpy as np

TYPE_NUMS = 1000
EMBED_DIM = 128
NUM_EMB = TYPE_NUMS + 1  # padding_idx = TYPE_NUMS


def setup_inputs(seed: int = 0) -> dict:
    key = jax.random.key(seed)
    k1, k2 = jax.random.split(key)
    atype = jax.random.randint(k1, (4096, 200), 0, TYPE_NUMS, dtype=jnp.int32)
    # Embedding weight: normal init std=0.02, padding row zeroed (matches torch module)
    weight = jax.random.normal(k2, (NUM_EMB, EMBED_DIM), dtype=jnp.float32) * 0.02
    weight = weight.at[TYPE_NUMS].set(0.0)
    return {"atype": atype, "weight": weight}


def reference(atype, weight):
    # TypeEmbedNet.forward: embedding lookup (gather rows of the table)
    return jnp.take(weight, atype, axis=0)

if __name__ == "__main__":
    import jax
    _d = setup_inputs()
    print(jax.jit(kernel)(*tuple(_d.values())))

</pallas_src>

<mosaic_0001>
#map = affine_map<(d0, d1) -> (0, 0)>
module attributes {stable_mosaic.version = 14 : i64} {
  func.func @_embed_sc(%arg0: i32, %arg1: i32, %arg2: memref<8192x100xi32, #tpu.memory_space<hbm>>, %arg3: memref<1001x128xf32, #tpu.memory_space<hbm>>, %arg4: memref<819200x128xf32, #tpu.memory_space<hbm>>, %arg5: memref<256x100xi32, #tpu.memory_space<vmem>>, %arg6: memref<200x128xf32, #tpu.memory_space<vmem>>, %arg7: memref<200x128xf32, #tpu.memory_space<vmem>>, %arg8: memref<200x128xf32, #tpu.memory_space<vmem>>, %arg9: memref<1001x128xf32, #tpu.memory_space<vmem_shared>>, %arg10: memref<!tpu.dma_semaphore, #tpu.memory_space<semaphore_mem>>, %arg11: memref<!tpu.dma_semaphore, #tpu.memory_space<semaphore_mem>>, %arg12: memref<!tpu.dma_semaphore, #tpu.memory_space<semaphore_mem>>, %arg13: memref<!tpu.dma_semaphore, #tpu.memory_space<semaphore_mem>>, %arg14: memref<!tpu.dma_semaphore, #tpu.memory_space<semaphore_mem>>, %arg15: memref<!tpu.dma_semaphore, #tpu.memory_space<semaphore_mem>>) attributes {dimension_semantics = [#tpu.dimension_semantics<core_parallel>, #tpu.dimension_semantics<subcore_parallel>], iteration_bounds = array<i64: 2, 16>, scalar_prefetch = 0 : i64, scratch_operands = 11 : i64, tpu.core_type = #tpu.core_type<sc_vector_subcore>, window_params = [{transform_indices = #map}, {transform_indices = #map}, {transform_indices = #map}]} {
    %mul3A = arith.constant 2 : i32
    %mul3A_0 = arith.muli %arg1, %mul3A : i32
    %add3A = arith.addi %mul3A_0, %arg0 : i32
    %mul3A_1 = arith.constant 25600 : i32
    %mul3A_2 = arith.muli %add3A, %mul3A_1 : i32
    %eq3A = arith.constant 0 : i32
    %eq3A_3 = arith.cmpi eq, %arg1, %eq3A : i32
    %convert_element_type3A = arith.extui %eq3A_3 : i1 to i32
    %cond3A = arith.constant 0 : i32
    %cond3A_4 = arith.cmpi ne, %convert_element_type3A, %cond3A : i32
    scf.if %cond3A_4 {
      "tpu.region"() ({
        %run_scoped3A = tpu.sem_alloc : memref<!tpu.dma_semaphore, #tpu.memory_space<semaphore_mem>>
        tpu.enqueue_dma source(%arg3 : memref<1001x128xf32, #tpu.memory_space<hbm>>) target(%arg9 : memref<1001x128xf32, #tpu.memory_space<vmem_shared>>) target_semaphore(%run_scoped3A : memref<!tpu.dma_semaphore, #tpu.memory_space<semaphore_mem>>)
        tpu.wait_dma2 semaphore(%run_scoped3A : memref<!tpu.dma_semaphore, #tpu.memory_space<semaphore_mem>>) src(%arg3 : memref<1001x128xf32, #tpu.memory_space<hbm>>) dst(%arg9 : memref<1001x128xf32, #tpu.memory_space<vmem_shared>>)
        tpu.yield
      }) : () -> ()
    } else {
    }
    %mul3A_5 = arith.constant 256 : i32
    %mul3A_6 = arith.muli %add3A, %mul3A_5 : i32
    "tpu.region"() ({
      %run_scoped3A = tpu.sem_alloc : memref<!tpu.dma_semaphore, #tpu.memory_space<semaphore_mem>>
      %dma_start3A_260 = arith.constant 0 : i32
      %dma_start3A_261 = tpu.memref_slice %arg2[%mul3A_6, %dma_start3A_260] : memref<8192x100xi32, #tpu.memory_space<hbm>> -> memref<256x100xi32, #tpu.memory_space<hbm>>
      %dma_start3A_262 = arith.constant 0 : i32
      %dma_start3A_263 = tpu.memref_slice %arg2[%mul3A_6, %dma_start3A_262] : memref<8192x100xi32, #tpu.memory_space<hbm>> -> memref<256x100xi32, #tpu.memory_space<hbm>>
      tpu.enqueue_dma source(%dma_start3A_263 : memref<256x100xi32, #tpu.memory_space<hbm>>) target(%arg5 : memref<256x100xi32, #tpu.memory_space<vmem>>) target_semaphore(%run_scoped3A : memref<!tpu.dma_semaphore, #tpu.memory_space<semaphore_mem>>)
      %dma_wait3A_264 = arith.constant 0 : i32
      %dma_wait3A_265 = tpu.memref_slice %arg2[%mul3A_6, %dma_wait3A_264] : memref<8192x100xi32, #tpu.memory_space<hbm>> -> memref<256x100xi32, #tpu.memory_space<hbm>>
      %dma_wait3A_266 = arith.constant 0 : i32
      %dma_wait3A_267 = tpu.memref_slice %arg2[%mul3A_6, %dma_wait3A_266] : memref<8192x100xi32, #tpu.memory_space<hbm>> -> memref<256x100xi32, #tpu.memory_space<hbm>>
      tpu.wait_dma2 semaphore(%run_scoped3A : memref<!tpu.dma_semaphore, #tpu.memory_space<semaphore_mem>>) src(%dma_wait3A_267 : memref<256x100xi32, #tpu.memory_space<hbm>>) dst(%arg5 : memref<256x100xi32, #tpu.memory_space<vmem>>)
      tpu.yield
    }) : () -> ()
    %barrier3A = arith.constant 0 : index
    tpu.barrier barrier_id(%barrier3A)
    %dma_start3A = arith.constant 0 : i32
    %dma_start3A_7 = arith.constant 0 : i32
    %dma_start3A_8 = arith.constant 0 : i32
    %dma_start3A_9 = tpu.memref_slice %arg6[%dma_start3A_7, %dma_start3A_8] : memref<200x128xf32, #tpu.memory_space<vmem>> -> memref<100x128xf32, #tpu.memory_space<vmem>>
    %dma_start3A_10 = arith.constant 0 : i32
    %dma_start3A_11 = tpu.memref_slice %arg5[%dma_start3A, %dma_start3A_10] : memref<256x100xi32, #tpu.memory_space<vmem>> -> memref<1x100xi32, #tpu.memory_space<vmem>>
    %dma_start3A_12 = tpu.memref_squeeze %dma_start3A_11 : memref<1x100xi32, #tpu.memory_space<vmem>> -> memref<100xi32, #tpu.memory_space<vmem>>
    %dma_start3A_13 = arith.constant 0 : i32
    %dma_start3A_14 = arith.constant 0 : i32
    %dma_start3A_15 = tpu.memref_slice %arg9[%dma_start3A_13, %dma_start3A_14] : memref<1001x128xf32, #tpu.memory_space<vmem_shared>> -> memref<1001x128xf32, #tpu.memory_space<vmem_shared>>
    tpu.enqueue_indirect_dma source(%dma_start3A_15 : memref<1001x128xf32, #tpu.memory_space<vmem_shared>>) target(%dma_start3A_9 : memref<100x128xf32, #tpu.memory_space<vmem>>) offsets(%dma_start3A_12 : memref<100xi32, #tpu.memory_space<vmem>>) semaphore(%arg10 : memref<!tpu.dma_semaphore, #tpu.memory_space<semaphore_mem>>)
    %dma_start3A_16 = arith.constant 1 : i32
    %dma_start3A_17 = arith.constant 100 : i32
    %dma_start3A_18 = arith.constant 0 : i32
    %dma_start3A_19 = tpu.memref_slice %arg6[%dma_start3A_17, %dma_start3A_18] : memref<200x128xf32, #tpu.memory_space<vmem>> -> memref<100x128xf32, #tpu.memory_space<vmem>>
    %dma_start3A_20 = arith.constant 0 : i32
    %dma_start3A_21 = tpu.memref_slice %arg5[%dma_start3A_16, %dma_start3A_20] : memref<256x100xi32, #tpu.memory_space<vmem>> -> memref<1x100xi32, #tpu.memory_space<vmem>>
    %dma_start3A_22 = tpu.memref_squeeze %dma_start3A_21 : memref<1x100xi32, #tpu.memory_space<vmem>> -> memref<100xi32, #tpu.memory_space<vmem>>
    %dma_start3A_23 = arith.constant 0 : i32
    %dma_start3A_24 = arith.constant 0 : i32
    %dma_start3A_25 = tpu.memref_slice %arg9[%dma_start3A_23, %dma_start3A_24] : memref<1001x128xf32, #tpu.memory_space<vmem_shared>> -> memref<1001x128xf32, #tpu.memory_space<vmem_shared>>
    tpu.enqueue_indirect_dma source(%dma_start3A_25 : memref<1001x128xf32, #tpu.memory_space<vmem_shared>>) target(%dma_start3A_19 : memref<100x128xf32, #tpu.memory_space<vmem>>) offsets(%dma_start3A_22 : memref<100xi32, #tpu.memory_space<vmem>>) semaphore(%arg10 : memref<!tpu.dma_semaphore, #tpu.memory_space<semaphore_mem>>)
    %dma_start3A_26 = arith.constant 2 : i32
    %dma_start3A_27 = arith.constant 0 : i32
    %dma_start3A_28 = arith.constant 0 : i32
    %dma_start3A_29 = tpu.memref_slice %arg7[%dma_start3A_27, %dma_start3A_28] : memref<200x128xf32, #tpu.memory_space<vmem>> -> memref<100x128xf32, #tpu.memory_space<vmem>>
    %dma_start3A_30 = arith.constant 0 : i32
    %dma_start3A_31 = tpu.memref_slice %arg5[%dma_start3A_26, %dma_start3A_30] : memref<256x100xi32, #tpu.memory_space<vmem>> -> memref<1x100xi32, #tpu.memory_space<vmem>>
    %dma_start3A_32 = tpu.memref_squeeze %dma_start3A_31 : memref<1x100xi32, #tpu.memory_space<vmem>> -> memref<100xi32, #tpu.memory_space<vmem>>
    %dma_start3A_33 = arith.constant 0 : i32
    %dma_start3A_34 = arith.constant 0 : i32
    %dma_start3A_35 = tpu.memref_slice %arg9[%dma_start3A_33, %dma_start3A_34] : memref<1001x128xf32, #tpu.memory_space<vmem_shared>> -> memref<1001x128xf32, #tpu.memory_space<vmem_shared>>
    tpu.enqueue_indirect_dma source(%dma_start3A_35 : memref<1001x128xf32, #tpu.memory_space<vmem_shared>>) target(%dma_start3A_29 : memref<100x128xf32, #tpu.memory_space<vmem>>) offsets(%dma_start3A_32 : memref<100xi32, #tpu.memory_space<vmem>>) semaphore(%arg11 : memref<!tpu.dma_semaphore, #tpu.memory_space<semaphore_mem>>)
    %dma_start3A_36 = arith.constant 3 : i32
    %dma_start3A_37 = arith.constant 100 : i32
    %dma_start3A_38 = arith.constant 0 : i32
    %dma_start3A_39 = tpu.memref_slice %arg7[%dma_start3A_37, %dma_start3A_38] : memref<200x128xf32, #tpu.memory_space<vmem>> -> memref<100x128xf32, #tpu.memory_space<vmem>>
    %dma_start3A_40 = arith.constant 0 : i32
    %dma_start3A_41 = tpu.memref_slice %arg5[%dma_start3A_36, %dma_start3A_40] : memref<256x100xi32, #tpu.memory_space<vmem>> -> memref<1x100xi32, #tpu.memory_space<vmem>>
    %dma_start3A_42 = tpu.memref_squeeze %dma_start3A_41 : memref<1x100xi32, #tpu.memory_space<vmem>> -> memref<100xi32, #tpu.memory_space<vmem>>
    %dma_start3A_43 = arith.constant 0 : i32
    %dma_start3A_44 = arith.constant 0 : i32
    %dma_start3A_45 = tpu.memref_slice %arg9[%dma_start3A_43, %dma_start3A_44] : memref<1001x128xf32, #tpu.memory_space<vmem_shared>> -> memref<1001x128xf32, #tpu.memory_space<vmem_shared>>
    tpu.enqueue_indirect_dma source(%dma_start3A_45 : memref<1001x128xf32, #tpu.memory_space<vmem_shared>>) target(%dma_start3A_39 : memref<100x128xf32, #tpu.memory_space<vmem>>) offsets(%dma_start3A_42 : memref<100xi32, #tpu.memory_space<vmem>>) semaphore(%arg11 : memref<!tpu.dma_semaphore, #tpu.memory_space<semaphore_mem>>)
    %dma_wait3A = arith.constant 0 : i32
    %dma_wait3A_46 = arith.constant 0 : i32
    %dma_wait3A_47 = arith.constant 0 : i32
    %dma_wait3A_48 = tpu.memref_slice %arg6[%dma_wait3A_46, %dma_wait3A_47] : memref<200x128xf32, #tpu.memory_space<vmem>> -> memref<100x128xf32, #tpu.memory_space<vmem>>
    %dma_wait3A_49 = arith.constant 0 : i32
    %dma_wait3A_50 = tpu.memref_slice %arg5[%dma_wait3A, %dma_wait3A_49] : memref<256x100xi32, #tpu.memory_space<vmem>> -> memref<1x100xi32, #tpu.memory_space<vmem>>
    %dma_wait3A_51 = tpu.memref_squeeze %dma_wait3A_50 : memref<1x100xi32, #tpu.memory_space<vmem>> -> memref<100xi32, #tpu.memory_space<vmem>>
    %dma_wait3A_52 = arith.constant 0 : i32
    %dma_wait3A_53 = arith.constant 0 : i32
    %dma_wait3A_54 = tpu.memref_slice %arg3[%dma_wait3A_52, %dma_wait3A_53] : memref<1001x128xf32, #tpu.memory_space<hbm>> -> memref<1001x128xf32, #tpu.memory_space<hbm>>
    tpu.wait_indirect_dma semaphore(%arg10 : memref<!tpu.dma_semaphore, #tpu.memory_space<semaphore_mem>>) src(%dma_wait3A_54 : memref<1001x128xf32, #tpu.memory_space<hbm>>) dst(%dma_wait3A_48 : memref<100x128xf32, #tpu.memory_space<vmem>>)
    %dma_wait3A_55 = arith.constant 1 : i32
    %dma_wait3A_56 = arith.constant 100 : i32
    %dma_wait3A_57 = arith.constant 0 : i32
    %dma_wait3A_58 = tpu.memref_slice %arg6[%dma_wait3A_56, %dma_wait3A_57] : memref<200x128xf32, #tpu.memory_space<vmem>> -> memref<100x128xf32, #tpu.memory_space<vmem>>
    %dma_wait3A_59 = arith.constant 0 : i32
    %dma_wait3A_60 = tpu.memref_slice %arg5[%dma_wait3A_55, %dma_wait3A_59] : memref<256x100xi32, #tpu.memory_space<vmem>> -> memref<1x100xi32, #tpu.memory_space<vmem>>
    %dma_wait3A_61 = tpu.memref_squeeze %dma_wait3A_60 : memref<1x100xi32, #tpu.memory_space<vmem>> -> memref<100xi32, #tpu.memory_space<vmem>>
    %dma_wait3A_62 = arith.constant 0 : i32
    %dma_wait3A_63 = arith.constant 0 : i32
    %dma_wait3A_64 = tpu.memref_slice %arg3[%dma_wait3A_62, %dma_wait3A_63] : memref<1001x128xf32, #tpu.memory_space<hbm>> -> memref<1001x128xf32, #tpu.memory_space<hbm>>
    tpu.wait_indirect_dma semaphore(%arg10 : memref<!tpu.dma_semaphore, #tpu.memory_space<semaphore_mem>>) src(%dma_wait3A_64 : memref<1001x128xf32, #tpu.memory_space<hbm>>) dst(%dma_wait3A_58 : memref<100x128xf32, #tpu.memory_space<vmem>>)
    %add3A_65 = arith.constant 0 : i32
    %add3A_66 = arith.addi %mul3A_2, %add3A_65 : i32
    %dma_start3A_67 = arith.constant 0 : i32
    %dma_start3A_68 = tpu.memref_slice %arg4[%add3A_66, %dma_start3A_67] : memref<819200x128xf32, #tpu.memory_space<hbm>> -> memref<200x128xf32, #tpu.memory_space<hbm>>
    %dma_start3A_69 = arith.constant 0 : i32
    %dma_start3A_70 = tpu.memref_slice %arg4[%add3A_66, %dma_start3A_69] : memref<819200x128xf32, #tpu.memory_space<hbm>> -> memref<200x128xf32, #tpu.memory_space<hbm>>
    tpu.enqueue_dma source(%arg6 : memref<200x128xf32, #tpu.memory_space<vmem>>) target(%dma_start3A_70 : memref<200x128xf32, #tpu.memory_space<hbm>>) target_semaphore(%arg13 : memref<!tpu.dma_semaphore, #tpu.memory_space<semaphore_mem>>)
    %dma_start3A_71 = arith.constant 4 : i32
    %dma_start3A_72 = arith.constant 0 : i32
    %dma_start3A_73 = arith.constant 0 : i32
    %dma_start3A_74 = tpu.memref_slice %arg8[%dma_start3A_72, %dma_start3A_73] : memref<200x128xf32, #tpu.memory_space<vmem>> -> memref<100x128xf32, #tpu.memory_space<vmem>>
    %dma_start3A_75 = arith.constant 0 : i32
    %dma_start3A_76 = tpu.memref_slice %arg5[%dma_start3A_71, %dma_start3A_75] : memref<256x100xi32, #tpu.memory_space<vmem>> -> memref<1x100xi32, #tpu.memory_space<vmem>>
    %dma_start3A_77 = tpu.memref_squeeze %dma_start3A_76 : memref<1x100xi32, #tpu.memory_space<vmem>> -> memref<100xi32, #tpu.memory_space<vmem>>
    %dma_start3A_78 = arith.constant 0 : i32
    %dma_start3A_79 = arith.constant 0 : i32
    %dma_start3A_80 = tpu.memref_slice %arg9[%dma_start3A_78, %dma_start3A_79] : memref<1001x128xf32, #tpu.memory_space<vmem_shared>> -> memref<1001x128xf32, #tpu.memory_space<vmem_shared>>
    tpu.enqueue_indirect_dma source(%dma_start3A_80 : memref<1001x128xf32, #tpu.memory_space<vmem_shared>>) target(%dma_start3A_74 : memref<100x128xf32, #tpu.memory_space<vmem>>) offsets(%dma_start3A_77 : memref<100xi32, #tpu.memory_space<vmem>>) semaphore(%arg12 : memref<!tpu.dma_semaphore, #tpu.memory_space<semaphore_mem>>)
    %dma_start3A_81 = arith.constant 5 : i32
    %dma_start3A_82 = arith.constant 100 : i32
    %dma_start3A_83 = arith.constant 0 : i32
    %dma_start3A_84 = tpu.memref_slice %arg8[%dma_start3A_82, %dma_start3A_83] : memref<200x128xf32, #tpu.memory_space<vmem>> -> memref<100x128xf32, #tpu.memory_space<vmem>>
    %dma_start3A_85 = arith.constant 0 : i32
    %dma_start3A_86 = tpu.memref_slice %arg5[%dma_start3A_81, %dma_start3A_85] : memref<256x100xi32, #tpu.memory_space<vmem>> -> memref<1x100xi32, #tpu.memory_space<vmem>>
    %dma_start3A_87 = tpu.memref_squeeze %dma_start3A_86 : memref<1x100xi32, #tpu.memory_space<vmem>> -> memref<100xi32, #tpu.memory_space<vmem>>
    %dma_start3A_88 = arith.constant 0 : i32
    %dma_start3A_89 = arith.constant 0 : i32
    %dma_start3A_90 = tpu.memref_slice %arg9[%dma_start3A_88, %dma_start3A_89] : memref<1001x128xf32, #tpu.memory_space<vmem_shared>> -> memref<1001x128xf32, #tpu.memory_space<vmem_shared>>
    tpu.enqueue_indirect_dma source(%dma_start3A_90 : memref<1001x128xf32, #tpu.memory_space<vmem_shared>>) target(%dma_start3A_84 : memref<100x128xf32, #tpu.memory_space<vmem>>) offsets(%dma_start3A_87 : memref<100xi32, #tpu.memory_space<vmem>>) semaphore(%arg12 : memref<!tpu.dma_semaphore, #tpu.memory_space<semaphore_mem>>)
    %scan3A = arith.constant 0 : i32
    %scan3A_91 = arith.constant 0 : i32
    %scan3A_92 = arith.constant 41 : i32
    %scan3A_93 = arith.addi %scan3A_91, %scan3A_92 : i32
    %scan3A_94 = arith.constant 1 : i32
    scf.for %scan3A_260 = %scan3A_91 to %scan3A_93 step %scan3A_94  : i32 {
      %mul3A_261 = arith.constant 3 : i32
      %mul3A_262 = arith.muli %scan3A_260, %mul3A_261 : i32
      %add3A_263 = arith.constant 1 : i32
      %add3A_264 = arith.addi %add3A_263, %mul3A_262 : i32
      %add3A_265 = arith.constant 0 : i32
      %add3A_266 = arith.addi %add3A_264, %add3A_265 : i32
      %dma_wait3A_267 = arith.constant 0 : i32
      %dma_wait3A_268 = arith.constant 0 : i32
      %dma_wait3A_269 = arith.constant 0 : i32
      %dma_wait3A_270 = tpu.memref_slice %arg7[%dma_wait3A_268, %dma_wait3A_269] : memref<200x128xf32, #tpu.memory_space<vmem>> -> memref<100x128xf32, #tpu.memory_space<vmem>>
      %dma_wait3A_271 = arith.constant 0 : i32
      %dma_wait3A_272 = tpu.memref_slice %arg5[%dma_wait3A_267, %dma_wait3A_271] : memref<256x100xi32, #tpu.memory_space<vmem>> -> memref<1x100xi32, #tpu.memory_space<vmem>>
      %dma_wait3A_273 = tpu.memref_squeeze %dma_wait3A_272 : memref<1x100xi32, #tpu.memory_space<vmem>> -> memref<100xi32, #tpu.memory_space<vmem>>
      %dma_wait3A_274 = arith.constant 0 : i32
      %dma_wait3A_275 = arith.constant 0 : i32
      %dma_wait3A_276 = tpu.memref_slice %arg3[%dma_wait3A_274, %dma_wait3A_275] : memref<1001x128xf32, #tpu.memory_space<hbm>> -> memref<1001x128xf32, #tpu.memory_space<hbm>>
      tpu.wait_indirect_dma semaphore(%arg11 : memref<!tpu.dma_semaphore, #tpu.memory_space<semaphore_mem>>) src(%dma_wait3A_276 : memref<1001x128xf32, #tpu.memory_space<hbm>>) dst(%dma_wait3A_270 : memref<100x128xf32, #tpu.memory_space<vmem>>)
      %dma_wait3A_277 = arith.constant 1 : i32
      %dma_wait3A_278 = arith.constant 100 : i32
      %dma_wait3A_279 = arith.constant 0 : i32
      %dma_wait3A_280 = tpu.memref_slice %arg7[%dma_wait3A_278, %dma_wait3A_279] : memref<200x128xf32, #tpu.memory_space<vmem>> -> memref<100x128xf32, #tpu.memory_space<vmem>>
      %dma_wait3A_281 = arith.constant 0 : i32
      %dma_wait3A_282 = tpu.memref_slice %arg5[%dma_wait3A_277, %dma_wait3A_281] : memref<256x100xi32, #tpu.memory_space<vmem>> -> memref<1x100xi32, #tpu.memory_space<vmem>>
      %dma_wait3A_283 = tpu.memref_squeeze %dma_wait3A_282 : memref<1x100xi32, #tpu.memory_space<vmem>> -> memref<100xi32, #tpu.memory_space<vmem>>
      %dma_wait3A_284 = arith.constant 0 : i32
      %dma_wait3A_285 = arith.constant 0 : i32
      %dma_wait3A_286 = tpu.memref_slice %arg3[%dma_wait3A_284, %dma_wait3A_285] : memref<1001x128xf32, #tpu.memory_space<hbm>> -> memref<1001x128xf32, #tpu.memory_space<hbm>>
      tpu.wait_indirect_dma semaphore(%arg11 : memref<!tpu.dma_semaphore, #tpu.memory_space<semaphore_mem>>) src(%dma_wait3A_286 : memref<1001x128xf32, #tpu.memory_space<hbm>>) dst(%dma_wait3A_280 : memref<100x128xf32, #tpu.memory_space<vmem>>)
      %mul3A_287 = arith.constant 200 : i32
      %mul3A_288 = arith.muli %add3A_266, %mul3A_287 : i32
      %add3A_289 = arith.addi %mul3A_2, %mul3A_288 : i32
      %dma_start3A_290 = arith.constant 0 : i32
      %dma_start3A_291 = tpu.memref_slice %arg4[%add3A_289, %dma_start3A_290] : memref<819200x128xf32, #tpu.memory_space<hbm>> -> memref<200x128xf32, #tpu.memory_space<hbm>>
      %dma_start3A_292 = arith.constant 0 : i32
      %dma_start3A_293 = tpu.memref_slice %arg4[%add3A_289, %dma_start3A_292] : memref<819200x128xf32, #tpu.memory_space<hbm>> -> memref<200x128xf32, #tpu.memory_space<hbm>>
      tpu.enqueue_dma source(%arg7 : memref<200x128xf32, #tpu.memory_space<vmem>>) target(%dma_start3A_293 : memref<200x128xf32, #tpu.memory_space<hbm>>) target_semaphore(%arg14 : memref<!tpu.dma_semaphore, #tpu.memory_space<semaphore_mem>>)
      %dma_wait3A_294 = arith.constant 0 : i32
      %dma_wait3A_295 = tpu.memref_slice %arg4[%mul3A_2, %dma_wait3A_294] : memref<819200x128xf32, #tpu.memory_space<hbm>> -> memref<200x128xf32, #tpu.memory_space<hbm>>
      %dma_wait3A_296 = arith.constant 0 : i32
      %dma_wait3A_297 = tpu.memref_slice %arg4[%mul3A_2, %dma_wait3A_296] : memref<819200x128xf32, #tpu.memory_space<hbm>> -> memref<200x128xf32, #tpu.memory_space<hbm>>
      tpu.wait_dma2 semaphore(%arg13 : memref<!tpu.dma_semaphore, #tpu.memory_space<semaphore_mem>>) src(%arg6 : memref<200x128xf32, #tpu.memory_space<vmem>>) dst(%dma_wait3A_297 : memref<200x128xf32, #tpu.memory_space<hbm>>)
      %add3A_298 = arith.constant 2 : i32
      %add3A_299 = arith.addi %add3A_266, %add3A_298 : i32
      %mul3A_300 = arith.constant 2 : i32
      %mul3A_301 = arith.muli %add3A_299, %mul3A_300 : i32
      %add3A_302 = arith.constant 0 : i32
      %add3A_303 = arith.addi %mul3A_301, %add3A_302 : i32
      %dma_start3A_304 = arith.constant 0 : i32
      %dma_start3A_305 = arith.constant 0 : i32
      %dma_start3A_306 = tpu.memref_slice %arg6[%dma_start3A_304, %dma_start3A_305] : memref<200x128xf32, #tpu.memory_space<vmem>> -> memref<100x128xf32, #tpu.memory_space<vmem>>
      %dma_start3A_307 = arith.constant 0 : i32
      %dma_start3A_308 = tpu.memref_slice %arg5[%add3A_303, %dma_start3A_307] : memref<256x100xi32, #tpu.memory_space<vmem>> -> memref<1x100xi32, #tpu.memory_space<vmem>>
      %dma_start3A_309 = tpu.memref_squeeze %dma_start3A_308 : memref<1x100xi32, #tpu.memory_space<vmem>> -> memref<100xi32, #tpu.memory_space<vmem>>
      %dma_start3A_310 = arith.constant 0 : i32
      %dma_start3A_311 = arith.constant 0 : i32
      %dma_start3A_312 = tpu.memref_slice %arg9[%dma_start3A_310, %dma_start3A_311] : memref<1001x128xf32, #tpu.memory_space<vmem_shared>> -> memref<1001x128xf32, #tpu.memory_space<vmem_shared>>
      tpu.enqueue_indirect_dma source(%dma_start3A_312 : memref<1001x128xf32, #tpu.memory_space<vmem_shared>>) target(%dma_start3A_306 : memref<100x128xf32, #tpu.memory_space<vmem>>) offsets(%dma_start3A_309 : memref<100xi32, #tpu.memory_space<vmem>>) semaphore(%arg10 : memref<!tpu.dma_semaphore, #tpu.memory_space<semaphore_mem>>)
      %mul3A_313 = arith.constant 2 : i32
      %mul3A_314 = arith.muli %add3A_299, %mul3A_313 : i32
      %add3A_315 = arith.constant 1 : i32
      %add3A_316 = arith.addi %mul3A_314, %add3A_315 : i32
      %dma_start3A_317 = arith.constant 100 : i32
      %dma_start3A_318 = arith.constant 0 : i32
      %dma_start3A_319 = tpu.memref_slice %arg6[%dma_start3A_317, %dma_start3A_318] : memref<200x128xf32, #tpu.memory_space<vmem>> -> memref<100x128xf32, #tpu.memory_space<vmem>>
      %dma_start3A_320 = arith.constant 0 : i32
      %dma_start3A_321 = tpu.memref_slice %arg5[%add3A_316, %dma_start3A_320] : memref<256x100xi32, #tpu.memory_space<vmem>> -> memref<1x100xi32, #tpu.memory_space<vmem>>
      %dma_start3A_322 = tpu.memref_squeeze %dma_start3A_321 : memref<1x100xi32, #tpu.memory_space<vmem>> -> memref<100xi32, #tpu.memory_space<vmem>>
      %dma_start3A_323 = arith.constant 0 : i32
      %dma_start3A_324 = arith.constant 0 : i32
      %dma_start3A_325 = tpu.memref_slice %arg9[%dma_start3A_323, %dma_start3A_324] : memref<1001x128xf32, #tpu.memory_space<vmem_shared>> -> memref<1001x128xf32, #tpu.memory_space<vmem_shared>>
      tpu.enqueue_indirect_dma source(%dma_start3A_325 : memref<1001x128xf32, #tpu.memory_space<vmem_shared>>) target(%dma_start3A_319 : memref<100x128xf32, #tpu.memory_space<vmem>>) offsets(%dma_start3A_322 : memref<100xi32, #tpu.memory_space<vmem>>) semaphore(%arg10 : memref<!tpu.dma_semaphore, #tpu.memory_space<semaphore_mem>>)
      %mul3A_326 = arith.constant 3 : i32
      %mul3A_327 = arith.muli %scan3A_260, %mul3A_326 : i32
      %add3A_328 = arith.constant 1 : i32
      %add3A_329 = arith.addi %add3A_328, %mul3A_327 : i32
      %add3A_330 = arith.constant 1 : i32
      %add3A_331 = arith.addi %add3A_329, %add3A_330 : i32
      %dma_wait3A_332 = arith.constant 0 : i32
      %dma_wait3A_333 = arith.constant 0 : i32
      %dma_wait3A_334 = arith.constant 0 : i32
      %dma_wait3A_335 = tpu.memref_slice %arg8[%dma_wait3A_333, %dma_wait3A_334] : memref<200x128xf32, #tpu.memory_space<vmem>> -> memref<100x128xf32, #tpu.memory_space<vmem>>
      %dma_wait3A_336 = arith.constant 0 : i32
      %dma_wait3A_337 = tpu.memref_slice %arg5[%dma_wait3A_332, %dma_wait3A_336] : memref<256x100xi32, #tpu.memory_space<vmem>> -> memref<1x100xi32, #tpu.memory_space<vmem>>
      %dma_wait3A_338 = tpu.memref_squeeze %dma_wait3A_337 : memref<1x100xi32, #tpu.memory_space<vmem>> -> memref<100xi32, #tpu.memory_space<vmem>>
      %dma_wait3A_339 = arith.constant 0 : i32
      %dma_wait3A_340 = arith.constant 0 : i32
      %dma_wait3A_341 = tpu.memref_slice %arg3[%dma_wait3A_339, %dma_wait3A_340] : memref<1001x128xf32, #tpu.memory_space<hbm>> -> memref<1001x128xf32, #tpu.memory_space<hbm>>
      tpu.wait_indirect_dma semaphore(%arg12 : memref<!tpu.dma_semaphore, #tpu.memory_space<semaphore_mem>>) src(%dma_wait3A_341 : memref<1001x128xf32, #tpu.memory_space<hbm>>) dst(%dma_wait3A_335 : memref<100x128xf32, #tpu.memory_space<vmem>>)
      %dma_wait3A_342 = arith.constant 1 : i32
      %dma_wait3A_343 = arith.constant 100 : i32
      %dma_wait3A_344 = arith.constant 0 : i32
      %dma_wait3A_345 = tpu.memref_slice %arg8[%dma_wait3A_343, %dma_wait3A_344] : memref<200x128xf32, #tpu.memory_space<vmem>> -> memref<100x128xf32, #tpu.memory_space<vmem>>
      %dma_wait3A_346 = arith.constant 0 : i32
      %dma_wait3A_347 = tpu.memref_slice %arg5[%dma_wait3A_342, %dma_wait3A_346] : memref<256x100xi32, #tpu.memory_space<vmem>> -> memref<1x100xi32, #tpu.memory_space<vmem>>
      %dma_wait3A_348 = tpu.memref_squeeze %dma_wait3A_347 : memref<1x100xi32, #tpu.memory_space<vmem>> -> memref<100xi32, #tpu.memory_space<vmem>>
      %dma_wait3A_349 = arith.constant 0 : i32
      %dma_wait3A_350 = arith.constant 0 : i32
      %dma_wait3A_351 = tpu.memref_slice %arg3[%dma_wait3A_349, %dma_wait3A_350] : memref<1001x128xf32, #tpu.memory_space<hbm>> -> memref<1001x128xf32, #tpu.memory_space<hbm>>
      tpu.wait_indirect_dma semaphore(%arg12 : memref<!tpu.dma_semaphore, #tpu.memory_space<semaphore_mem>>) src(%dma_wait3A_351 : memref<1001x128xf32, #tpu.memory_space<hbm>>) dst(%dma_wait3A_345 : memref<100x128xf32, #tpu.memory_space<vmem>>)
      %mul3A_352 = arith.constant 200 : i32
      %mul3A_353 = arith.muli %add3A_331, %mul3A_352 : i32
      %add3A_354 = arith.addi %mul3A_2, %mul3A_353 : i32
      %dma_start3A_355 = arith.constant 0 : i32
      %dma_start3A_356 = tpu.memref_slice %arg4[%add3A_354, %dma_start3A_355] : memref<819200x128xf32, #tpu.memory_space<hbm>> -> memref<200x128xf32, #tpu.memory_space<hbm>>
      %dma_start3A_357 = arith.constant 0 : i32
      %dma_start3A_358 = tpu.memref_slice %arg4[%add3A_354, %dma_start3A_357] : memref<819200x128xf32, #tpu.memory_space<hbm>> -> memref<200x128xf32, #tpu.memory_space<hbm>>
      tpu.enqueue_dma source(%arg8 : memref<200x128xf32, #tpu.memory_space<vmem>>) target(%dma_start3A_358 : memref<200x128xf32, #tpu.memory_space<hbm>>) target_semaphore(%arg15 : memref<!tpu.dma_semaphore, #tpu.memory_space<semaphore_mem>>)
      %dma_wait3A_359 = arith.constant 0 : i32
      %dma_wait3A_360 = tpu.memref_slice %arg4[%mul3A_2, %dma_wait3A_359] : memref<819200x128xf32, #tpu.memory_space<hbm>> -> memref<200x128xf32, #tpu.memory_space<hbm>>
      %dma_wait3A_361 = arith.constant 0 : i32
      %dma_wait3A_362 = tpu.memref_slice %arg4[%mul3A_2, %dma_wait3A_361] : memref<819200x128xf32, #tpu.memory_space<hbm>> -> memref<200x128xf32, #tpu.memory_space<hbm>>
      tpu.wait_dma2 semaphore(%arg14 : memref<!tpu.dma_semaphore, #tpu.memory_space<semaphore_mem>>) src(%arg7 : memref<200x128xf32, #tpu.memory_space<vmem>>) dst(%dma_wait3A_362 : memref<200x128xf32, #tpu.memory_space<hbm>>)
      %add3A_363 = arith.constant 2 : i32
      %add3A_364 = arith.addi %add3A_331, %add3A_363 : i32
      %mul3A_365 = arith.constant 2 : i32
      %mul3A_366 = arith.muli %add3A_364, %mul3A_365 : i32
      %add3A_367 = arith.constant 0 : i32
      %add3A_368 = arith.addi %mul3A_366, %add3A_367 : i32
      %dma_start3A_369 = arith.constant 0 : i32
      %dma_start3A_370 = arith.constant 0 : i32
      %dma_start3A_371 = tpu.memref_slice %arg7[%dma_start3A_369, %dma_start3A_370] : memref<200x128xf32, #tpu.memory_space<vmem>> -> memref<100x128xf32, #tpu.memory_space<vmem>>
      %dma_start3A_372 = arith.constant 0 : i32
      %dma_start3A_373 = tpu.memref_slice %arg5[%add3A_368, %dma_start3A_372] : memref<256x100xi32, #tpu.memory_space<vmem>> -> memref<1x100xi32, #tpu.memory_space<vmem>>
      %dma_start3A_374 = tpu.memref_squeeze %dma_start3A_373 : memref<1x100xi32, #tpu.memory_space<vmem>> -> memref<100xi32, #tpu.memory_space<vmem>>
      %dma_start3A_375 = arith.constant 0 : i32
      %dma_start3A_376 = arith.constant 0 : i32
      %dma_start3A_377 = tpu.memref_slice %arg9[%dma_start3A_375, %dma_start3A_376] : memref<1001x128xf32, #tpu.memory_space<vmem_shared>> -> memref<1001x128xf32, #tpu.memory_space<vmem_shared>>
      tpu.enqueue_indirect_dma source(%dma_start3A_377 : memref<1001x128xf32, #tpu.memory_space<vmem_shared>>) target(%dma_start3A_371 : memref<100x128xf32, #tpu.memory_space<vmem>>) offsets(%dma_start3A_374 : memref<100xi32, #tpu.memory_space<vmem>>) semaphore(%arg11 : memref<!tpu.dma_semaphore, #tpu.memory_space<semaphore_mem>>)
      %mul3A_378 = arith.constant 2 : i32
      %mul3A_379 = arith.muli %add3A_364, %mul3A_378 : i32
      %add3A_380 = arith.constant 1 : i32
      %add3A_381 = arith.addi %mul3A_379, %add3A_380 : i32
      %dma_start3A_382 = arith.constant 100 : i32
      %dma_start3A_383 = arith.constant 0 : i32
      %dma_start3A_384 = tpu.memref_slice %arg7[%dma_start3A_382, %dma_start3A_383] : memref<200x128xf32, #tpu.memory_space<vmem>> -> memref<100x128xf32, #tpu.memory_space<vmem>>
      %dma_start3A_385 = arith.constant 0 : i32
      %dma_start3A_386 = tpu.memref_slice %arg5[%add3A_381, %dma_start3A_385] : memref<256x100xi32, #tpu.memory_space<vmem>> -> memref<1x100xi32, #tpu.memory_space<vmem>>
      %dma_start3A_387 = tpu.memref_squeeze %dma_start3A_386 : memref<1x100xi32, #tpu.memory_space<vmem>> -> memref<100xi32, #tpu.memory_space<vmem>>
      %dma_start3A_388 = arith.constant 0 : i32
      %dma_start3A_389 = arith.constant 0 : i32
      %dma_start3A_390 = tpu.memref_slice %arg9[%dma_start3A_388, %dma_start3A_389] : memref<1001x128xf32, #tpu.memory_space<vmem_shared>> -> memref<1001x128xf32, #tpu.memory_space<vmem_shared>>
      tpu.enqueue_indirect_dma source(%dma_start3A_390 : memref<1001x128xf32, #tpu.memory_space<vmem_shared>>) target(%dma_start3A_384 : memref<100x128xf32, #tpu.memory_space<vmem>>) offsets(%dma_start3A_387 : memref<100xi32, #tpu.memory_space<vmem>>) semaphore(%arg11 : memref<!tpu.dma_semaphore, #tpu.memory_space<semaphore_mem>>)
      %mul3A_391 = arith.constant 3 : i32
      %mul3A_392 = arith.muli %scan3A_260, %mul3A_391 : i32
      %add3A_393 = arith.constant 1 : i32
      %add3A_394 = arith.addi %add3A_393, %mul3A_392 : i32
      %add3A_395 = arith.constant 2 : i32
      %add3A_396 = arith.addi %add3A_394, %add3A_395 : i32
      %dma_wait3A_397 = arith.constant 0 : i32
      %dma_wait3A_398 = arith.constant 0 : i32
      %dma_wait3A_399 = arith.constant 0 : i32
      %dma_wait3A_400 = tpu.memref_slice %arg6[%dma_wait3A_398, %dma_wait3A_399] : memref<200x128xf32, #tpu.memory_space<vmem>> -> memref<100x128xf32, #tpu.memory_space<vmem>>
      %dma_wait3A_401 = arith.constant 0 : i32
      %dma_wait3A_402 = tpu.memref_slice %arg5[%dma_wait3A_397, %dma_wait3A_401] : memref<256x100xi32, #tpu.memory_space<vmem>> -> memref<1x100xi32, #tpu.memory_space<vmem>>
      %dma_wait3A_403 = tpu.memref_squeeze %dma_wait3A_402 : memref<1x100xi32, #tpu.memory_space<vmem>> -> memref<100xi32, #tpu.memory_space<vmem>>
      %dma_wait3A_404 = arith.constant 0 : i32
      %dma_wait3A_405 = arith.constant 0 : i32
      %dma_wait3A_406 = tpu.memref_slice %arg3[%dma_wait3A_404, %dma_wait3A_405] : memref<1001x128xf32, #tpu.memory_space<hbm>> -> memref<1001x128xf32, #tpu.memory_space<hbm>>
      tpu.wait_indirect_dma semaphore(%arg10 : memref<!tpu.dma_semaphore, #tpu.memory_space<semaphore_mem>>) src(%dma_wait3A_406 : memref<1001x128xf32, #tpu.memory_space<hbm>>) dst(%dma_wait3A_400 : memref<100x128xf32, #tpu.memory_space<vmem>>)
      %dma_wait3A_407 = arith.constant 1 : i32
      %dma_wait3A_408 = arith.constant 100 : i32
      %dma_wait3A_409 = arith.constant 0 : i32
      %dma_wait3A_410 = tpu.memref_slice %arg6[%dma_wait3A_408, %dma_wait3A_409] : memref<200x128xf32, #tpu.memory_space<vmem>> -> memref<100x128xf32, #tpu.memory_space<vmem>>
      %dma_wait3A_411 = arith.constant 0 : i32
      %dma_wait3A_412 = tpu.memref_slice %arg5[%dma_wait3A_407, %dma_wait3A_411] : memref<256x100xi32, #tpu.memory_space<vmem>> -> memref<1x100xi32, #tpu.memory_space<vmem>>
      %dma_wait3A_413 = tpu.memref_squeeze %dma_wait3A_412 : memref<1x100xi32, #tpu.memory_space<vmem>> -> memref<100xi32, #tpu.memory_space<vmem>>
      %dma_wait3A_414 = arith.constant 0 : i32
      %dma_wait3A_415 = arith.constant 0 : i32
      %dma_wait3A_416 = tpu.memref_slice %arg3[%dma_wait3A_414, %dma_wait3A_415] : memref<1001x128xf32, #tpu.memory_space<hbm>> -> memref<1001x128xf32, #tpu.memory_space<hbm>>
      tpu.wait_indirect_dma semaphore(%arg10 : memref<!tpu.dma_semaphore, #tpu.memory_space<semaphore_mem>>) src(%dma_wait3A_416 : memref<1001x128xf32, #tpu.memory_space<hbm>>) dst(%dma_wait3A_410 : memref<100x128xf32, #tpu.memory_space<vmem>>)
      %mul3A_417 = arith.constant 200 : i32
      %mul3A_418 = arith.muli %add3A_396, %mul3A_417 : i32
      %add3A_419 = arith.addi %mul3A_2, %mul3A_418 : i32
      %dma_start3A_420 = arith.constant 0 : i32
      %dma_start3A_421 = tpu.memref_slice %arg4[%add3A_419, %dma_start3A_420] : memref<819200x128xf32, #tpu.memory_space<hbm>> -> memref<200x128xf32, #tpu.memory_space<hbm>>
      %dma_start3A_422 = arith.constant 0 : i32
      %dma_start3A_423 = tpu.memref_slice %arg4[%add3A_419, %dma_start3A_422] : memref<819200x128xf32, #tpu.memory_space<hbm>> -> memref<200x128xf32, #tpu.memory_space<hbm>>
      tpu.enqueue_dma source(%arg6 : memref<200x128xf32, #tpu.memory_space<vmem>>) target(%dma_start3A_423 : memref<200x128xf32, #tpu.memory_space<hbm>>) target_semaphore(%arg13 : memref<!tpu.dma_semaphore, #tpu.memory_space<semaphore_mem>>)
      %dma_wait3A_424 = arith.constant 0 : i32
      %dma_wait3A_425 = tpu.memref_slice %arg4[%mul3A_2, %dma_wait3A_424] : memref<819200x128xf32, #tpu.memory_space<hbm>> -> memref<200x128xf32, #tpu.memory_space<hbm>>
      %dma_wait3A_426 = arith.constant 0 : i32
      %dma_wait3A_427 = tpu.memref_slice %arg4[%mul3A_2, %dma_wait3A_426] : memref<819200x128xf32, #tpu.memory_space<hbm>> -> memref<200x128xf32, #tpu.memory_space<hbm>>
      tpu.wait_dma2 semaphore(%arg15 : memref<!tpu.dma_semaphore, #tpu.memory_space<semaphore_mem>>) src(%arg8 : memref<200x128xf32, #tpu.memory_space<vmem>>) dst(%dma_wait3A_427 : memref<200x128xf32, #tpu.memory_space<hbm>>)
      %add3A_428 = arith.constant 2 : i32
      %add3A_429 = arith.addi %add3A_396, %add3A_428 : i32
      %mul3A_430 = arith.constant 2 : i32
      %mul3A_431 = arith.muli %add3A_429, %mul3A_430 : i32
      %add3A_432 = arith.constant 0 : i32
      %add3A_433 = arith.addi %mul3A_431, %add3A_432 : i32
      %dma_start3A_434 = arith.constant 0 : i32
      %dma_start3A_435 = arith.constant 0 : i32
      %dma_start3A_436 = tpu.memref_slice %arg8[%dma_start3A_434, %dma_start3A_435] : memref<200x128xf32, #tpu.memory_space<vmem>> -> memref<100x128xf32, #tpu.memory_space<vmem>>
      %dma_start3A_437 = arith.constant 0 : i32
      %dma_start3A_438 = tpu.memref_slice %arg5[%add3A_433, %dma_start3A_437] : memref<256x100xi32, #tpu.memory_space<vmem>> -> memref<1x100xi32, #tpu.memory_space<vmem>>
      %dma_start3A_439 = tpu.memref_squeeze %dma_start3A_438 : memref<1x100xi32, #tpu.memory_space<vmem>> -> memref<100xi32, #tpu.memory_space<vmem>>
      %dma_start3A_440 = arith.constant 0 : i32
      %dma_start3A_441 = arith.constant 0 : i32
      %dma_start3A_442 = tpu.memref_slice %arg9[%dma_start3A_440, %dma_start3A_441] : memref<1001x128xf32, #tpu.memory_space<vmem_shared>> -> memref<1001x128xf32, #tpu.memory_space<vmem_shared>>
      tpu.enqueue_indirect_dma source(%dma_start3A_442 : memref<1001x128xf32, #tpu.memory_space<vmem_shared>>) target(%dma_start3A_436 : memref<100x128xf32, #tpu.memory_space<vmem>>) offsets(%dma_start3A_439 : memref<100xi32, #tpu.memory_space<vmem>>) semaphore(%arg12 : memref<!tpu.dma_semaphore, #tpu.memory_space<semaphore_mem>>)
      %mul3A_443 = arith.constant 2 : i32
      %mul3A_444 = arith.muli %add3A_429, %mul3A_443 : i32
      %add3A_445 = arith.constant 1 : i32
      %add3A_446 = arith.addi %mul3A_444, %add3A_445 : i32
      %dma_start3A_447 = arith.constant 100 : i32
      %dma_start3A_448 = arith.constant 0 : i32
      %dma_start3A_449 = tpu.memref_slice %arg8[%dma_start3A_447, %dma_start3A_448] : memref<200x128xf32, #tpu.memory_space<vmem>> -> memref<100x128xf32, #tpu.memory_space<vmem>>
      %dma_start3A_450 = arith.constant 0 : i32
      %dma_start3A_451 = tpu.memref_slice %arg5[%add3A_446, %dma_start3A_450] : memref<256x100xi32, #tpu.memory_space<vmem>> -> memref<1x100xi32, #tpu.memory_space<vmem>>
      %dma_start3A_452 = tpu.memref_squeeze %dma_start3A_451 : memref<1x100xi32, #tpu.memory_space<vmem>> -> memref<100xi32, #tpu.memory_space<vmem>>
      %dma_start3A_453 = arith.constant 0 : i32
      %dma_start3A_454 = arith.constant 0 : i32
      %dma_start3A_455 = tpu.memref_slice %arg9[%dma_start3A_453, %dma_start3A_454] : memref<1001x128xf32, #tpu.memory_space<vmem_shared>> -> memref<1001x128xf32, #tpu.memory_space<vmem_shared>>
      tpu.enqueue_indirect_dma source(%dma_start3A_455 : memref<1001x128xf32, #tpu.memory_space<vmem_shared>>) target(%dma_start3A_449 : memref<100x128xf32, #tpu.memory_space<vmem>>) offsets(%dma_start3A_452 : memref<100xi32, #tpu.memory_space<vmem>>) semaphore(%arg12 : memref<!tpu.dma_semaphore, #tpu.memory_space<semaphore_mem>>)
    }
    %scan3A_95 = arith.constant 41 : i32
    %dma_wait3A_96 = arith.constant 0 : i32
    %dma_wait3A_97 = arith.constant 0 : i32
    %dma_wait3A_98 = arith.constant 0 : i32
    %dma_wait3A_99 = tpu.memref_slice %arg7[%dma_wait3A_97, %dma_wait3A_98] : memref<200x128xf32, #tpu.memory_space<vmem>> -> memref<100x128xf32, #tpu.memory_space<vmem>>
    %dma_wait3A_100 = arith.constant 0 : i32
    %dma_wait3A_101 = tpu.memref_slice %arg5[%dma_wait3A_96, %dma_wait3A_100] : memref<256x100xi32, #tpu.memory_space<vmem>> -> memref<1x100xi32, #tpu.memory_space<vmem>>
    %dma_wait3A_102 = tpu.memref_squeeze %dma_wait3A_101 : memref<1x100xi32, #tpu.memory_space<vmem>> -> memref<100xi32, #tpu.memory_space<vmem>>
    %dma_wait3A_103 = arith.constant 0 : i32
    %dma_wait3A_104 = arith.constant 0 : i32
    %dma_wait3A_105 = tpu.memref_slice %arg3[%dma_wait3A_103, %dma_wait3A_104] : memref<1001x128xf32, #tpu.memory_space<hbm>> -> memref<1001x128xf32, #tpu.memory_space<hbm>>
    tpu.wait_indirect_dma semaphore(%arg11 : memref<!tpu.dma_semaphore, #tpu.memory_space<semaphore_mem>>) src(%dma_wait3A_105 : memref<1001x128xf32, #tpu.memory_space<hbm>>) dst(%dma_wait3A_99 : memref<100x128xf32, #tpu.memory_space<vmem>>)
    %dma_wait3A_106 = arith.constant 1 : i32
    %dma_wait3A_107 = arith.constant 100 : i32
    %dma_wait3A_108 = arith.constant 0 : i32
    %dma_wait3A_109 = tpu.memref_slice %arg7[%dma_wait3A_107, %dma_wait3A_108] : memref<200x128xf32, #tpu.memory_space<vmem>> -> memref<100x128xf32, #tpu.memory_space<vmem>>
    %dma_wait3A_110 = arith.constant 0 : i32
    %dma_wait3A_111 = tpu.memref_slice %arg5[%dma_wait3A_106, %dma_wait3A_110] : memref<256x100xi32, #tpu.memory_space<vmem>> -> memref<1x100xi32, #tpu.memory_space<vmem>>
    %dma_wait3A_112 = tpu.memref_squeeze %dma_wait3A_111 : memref<1x100xi32, #tpu.memory_space<vmem>> -> memref<100xi32, #tpu.memory_space<vmem>>
    %dma_wait3A_113 = arith.constant 0 : i32
    %dma_wait3A_114 = arith.constant 0 : i32
    %dma_wait3A_115 = tpu.memref_slice %arg3[%dma_wait3A_113, %dma_wait3A_114] : memref<1001x128xf32, #tpu.memory_space<hbm>> -> memref<1001x128xf32, #tpu.memory_space<hbm>>
    tpu.wait_indirect_dma semaphore(%arg11 : memref<!tpu.dma_semaphore, #tpu.memory_space<semaphore_mem>>) src(%dma_wait3A_115 : memref<1001x128xf32, #tpu.memory_space<hbm>>) dst(%dma_wait3A_109 : memref<100x128xf32, #tpu.memory_space<vmem>>)
    %add3A_116 = arith.constant 24800 : i32
    %add3A_117 = arith.addi %mul3A_2, %add3A_116 : i32
    %dma_start3A_118 = arith.constant 0 : i32
    %dma_start3A_119 = tpu.memref_slice %arg4[%add3A_117, %dma_start3A_118] : memref<819200x128xf32, #tpu.memory_space<hbm>> -> memref<200x128xf32, #tpu.memory_space<hbm>>
    %dma_start3A_120 = arith.constant 0 : i32
    %dma_start3A_121 = tpu.memref_slice %arg4[%add3A_117, %dma_start3A_120] : memref<819200x128xf32, #tpu.memory_space<hbm>> -> memref<200x128xf32, #tpu.memory_space<hbm>>
    tpu.enqueue_dma source(%arg7 : memref<200x128xf32, #tpu.memory_space<vmem>>) target(%dma_start3A_121 : memref<200x128xf32, #tpu.memory_space<hbm>>) target_semaphore(%arg14 : memref<!tpu.dma_semaphore, #tpu.memory_space<semaphore_mem>>)
    %dma_wait3A_122 = arith.constant 0 : i32
    %dma_wait3A_123 = tpu.memref_slice %arg4[%mul3A_2, %dma_wait3A_122] : memref<819200x128xf32, #tpu.memory_space<hbm>> -> memref<200x128xf32, #tpu.memory_space<hbm>>
    %dma_wait3A_124 = arith.constant 0 : i32
    %dma_wait3A_125 = tpu.memref_slice %arg4[%mul3A_2, %dma_wait3A_124] : memref<819200x128xf32, #tpu.memory_space<hbm>> -> memref<200x128xf32, #tpu.memory_space<hbm>>
    tpu.wait_dma2 semaphore(%arg13 : memref<!tpu.dma_semaphore, #tpu.memory_space<semaphore_mem>>) src(%arg6 : memref<200x128xf32, #tpu.memory_space<vmem>>) dst(%dma_wait3A_125 : memref<200x128xf32, #tpu.memory_space<hbm>>)
    %dma_start3A_126 = arith.constant 252 : i32
    %dma_start3A_127 = arith.constant 0 : i32
    %dma_start3A_128 = arith.constant 0 : i32
    %dma_start3A_129 = tpu.memref_slice %arg6[%dma_start3A_127, %dma_start3A_128] : memref<200x128xf32, #tpu.memory_space<vmem>> -> memref<100x128xf32, #tpu.memory_space<vmem>>
    %dma_start3A_130 = arith.constant 0 : i32
    %dma_start3A_131 = tpu.memref_slice %arg5[%dma_start3A_126, %dma_start3A_130] : memref<256x100xi32, #tpu.memory_space<vmem>> -> memref<1x100xi32, #tpu.memory_space<vmem>>
    %dma_start3A_132 = tpu.memref_squeeze %dma_start3A_131 : memref<1x100xi32, #tpu.memory_space<vmem>> -> memref<100xi32, #tpu.memory_space<vmem>>
    %dma_start3A_133 = arith.constant 0 : i32
    %dma_start3A_134 = arith.constant 0 : i32
    %dma_start3A_135 = tpu.memref_slice %arg9[%dma_start3A_133, %dma_start3A_134] : memref<1001x128xf32, #tpu.memory_space<vmem_shared>> -> memref<1001x128xf32, #tpu.memory_space<vmem_shared>>
    tpu.enqueue_indirect_dma source(%dma_start3A_135 : memref<1001x128xf32, #tpu.memory_space<vmem_shared>>) target(%dma_start3A_129 : memref<100x128xf32, #tpu.memory_space<vmem>>) offsets(%dma_start3A_132 : memref<100xi32, #tpu.memory_space<vmem>>) semaphore(%arg10 : memref<!tpu.dma_semaphore, #tpu.memory_space<semaphore_mem>>)
    %dma_start3A_136 = arith.constant 253 : i32
    %dma_start3A_137 = arith.constant 100 : i32
    %dma_start3A_138 = arith.constant 0 : i32
    %dma_start3A_139 = tpu.memref_slice %arg6[%dma_start3A_137, %dma_start3A_138] : memref<200x128xf32, #tpu.memory_space<vmem>> -> memref<100x128xf32, #tpu.memory_space<vmem>>
    %dma_start3A_140 = arith.constant 0 : i32
    %dma_start3A_141 = tpu.memref_slice %arg5[%dma_start3A_136, %dma_start3A_140] : memref<256x100xi32, #tpu.memory_space<vmem>> -> memref<1x100xi32, #tpu.memory_space<vmem>>
    %dma_start3A_142 = tpu.memref_squeeze %dma_start3A_141 : memref<1x100xi32, #tpu.memory_space<vmem>> -> memref<100xi32, #tpu.memory_space<vmem>>
    %dma_start3A_143 = arith.constant 0 : i32
    %dma_start3A_144 = arith.constant 0 : i32
    %dma_start3A_145 = tpu.memref_slice %arg9[%dma_start3A_143, %dma_start3A_144] : memref<1001x128xf32, #tpu.memory_space<vmem_shared>> -> memref<1001x128xf32, #tpu.memory_space<vmem_shared>>
    tpu.enqueue_indirect_dma source(%dma_start3A_145 : memref<1001x128xf32, #tpu.memory_space<vmem_shared>>) target(%dma_start3A_139 : memref<100x128xf32, #tpu.memory_space<vmem>>) offsets(%dma_start3A_142 : memref<100xi32, #tpu.memory_space<vmem>>) semaphore(%arg10 : memref<!tpu.dma_semaphore, #tpu.memory_space<semaphore_mem>>)
    %dma_wait3A_146 = arith.constant 0 : i32
    %dma_wait3A_147 = arith.constant 0 : i32
    %dma_wait3A_148 = arith.constant 0 : i32
    %dma_wait3A_149 = tpu.memref_slice %arg8[%dma_wait3A_147, %dma_wait3A_148] : memref<200x128xf32, #tpu.memory_space<vmem>> -> memref<100x128xf32, #tpu.memory_space<vmem>>
    %dma_wait3A_150 = arith.constant 0 : i32
    %dma_wait3A_151 = tpu.memref_slice %arg5[%dma_wait3A_146, %dma_wait3A_150] : memref<256x100xi32, #tpu.memory_space<vmem>> -> memref<1x100xi32, #tpu.memory_space<vmem>>
    %dma_wait3A_152 = tpu.memref_squeeze %dma_wait3A_151 : memref<1x100xi32, #tpu.memory_space<vmem>> -> memref<100xi32, #tpu.memory_space<vmem>>
    %dma_wait3A_153 = arith.constant 0 : i32
    %dma_wait3A_154 = arith.constant 0 : i32
    %dma_wait3A_155 = tpu.memref_slice %arg3[%dma_wait3A_153, %dma_wait3A_154] : memref<1001x128xf32, #tpu.memory_space<hbm>> -> memref<1001x128xf32, #tpu.memory_space<hbm>>
    tpu.wait_indirect_dma semaphore(%arg12 : memref<!tpu.dma_semaphore, #tpu.memory_space<semaphore_mem>>) src(%dma_wait3A_155 : memref<1001x128xf32, #tpu.memory_space<hbm>>) dst(%dma_wait3A_149 : memref<100x128xf32, #tpu.memory_space<vmem>>)
    %dma_wait3A_156 = arith.constant 1 : i32
    %dma_wait3A_157 = arith.constant 100 : i32
    %dma_wait3A_158 = arith.constant 0 : i32
    %dma_wait3A_159 = tpu.memref_slice %arg8[%dma_wait3A_157, %dma_wait3A_158] : memref<200x128xf32, #tpu.memory_space<vmem>> -> memref<100x128xf32, #tpu.memory_space<vmem>>
    %dma_wait3A_160 = arith.constant 0 : i32
    %dma_wait3A_161 = tpu.memref_slice %arg5[%dma_wait3A_156, %dma_wait3A_160] : memref<256x100xi32, #tpu.memory_space<vmem>> -> memref<1x100xi32, #tpu.memory_space<vmem>>
    %dma_wait3A_162 = tpu.memref_squeeze %dma_wait3A_161 : memref<1x100xi32, #tpu.memory_space<vmem>> -> memref<100xi32, #tpu.memory_space<vmem>>
    %dma_wait3A_163 = arith.constant 0 : i32
    %dma_wait3A_164 = arith.constant 0 : i32
    %dma_wait3A_165 = tpu.memref_slice %arg3[%dma_wait3A_163, %dma_wait3A_164] : memref<1001x128xf32, #tpu.memory_space<hbm>> -> memref<1001x128xf32, #tpu.memory_space<hbm>>
    tpu.wait_indirect_dma semaphore(%arg12 : memref<!tpu.dma_semaphore, #tpu.memory_space<semaphore_mem>>) src(%dma_wait3A_165 : memref<1001x128xf32, #tpu.memory_space<hbm>>) dst(%dma_wait3A_159 : memref<100x128xf32, #tpu.memory_space<vmem>>)
    %add3A_166 = arith.constant 25000 : i32
    %add3A_167 = arith.addi %mul3A_2, %add3A_166 : i32
    %dma_start3A_168 = arith.constant 0 : i32
    %dma_start3A_169 = tpu.memref_slice %arg4[%add3A_167, %dma_start3A_168] : memref<819200x128xf32, #tpu.memory_space<hbm>> -> memref<200x128xf32, #tpu.memory_space<hbm>>
    %dma_start3A_170 = arith.constant 0 : i32
    %dma_start3A_171 = tpu.memref_slice %arg4[%add3A_167, %dma_start3A_170] : memref<819200x128xf32, #tpu.memory_space<hbm>> -> memref<200x128xf32, #tpu.memory_space<hbm>>
    tpu.enqueue_dma source(%arg8 : memref<200x128xf32, #tpu.memory_space<vmem>>) target(%dma_start3A_171 : memref<200x128xf32, #tpu.memory_space<hbm>>) target_semaphore(%arg15 : memref<!tpu.dma_semaphore, #tpu.memory_space<semaphore_mem>>)
    %dma_wait3A_172 = arith.constant 0 : i32
    %dma_wait3A_173 = tpu.memref_slice %arg4[%mul3A_2, %dma_wait3A_172] : memref<819200x128xf32, #tpu.memory_space<hbm>> -> memref<200x128xf32, #tpu.memory_space<hbm>>
    %dma_wait3A_174 = arith.constant 0 : i32
    %dma_wait3A_175 = tpu.memref_slice %arg4[%mul3A_2, %dma_wait3A_174] : memref<819200x128xf32, #tpu.memory_space<hbm>> -> memref<200x128xf32, #tpu.memory_space<hbm>>
    tpu.wait_dma2 semaphore(%arg14 : memref<!tpu.dma_semaphore, #tpu.memory_space<semaphore_mem>>) src(%arg7 : memref<200x128xf32, #tpu.memory_space<vmem>>) dst(%dma_wait3A_175 : memref<200x128xf32, #tpu.memory_space<hbm>>)
    %dma_start3A_176 = arith.constant 254 : i32
    %dma_start3A_177 = arith.constant 0 : i32
    %dma_start3A_178 = arith.constant 0 : i32
    %dma_start3A_179 = tpu.memref_slice %arg7[%dma_start3A_177, %dma_start3A_178] : memref<200x128xf32, #tpu.memory_space<vmem>> -> memref<100x128xf32, #tpu.memory_space<vmem>>
    %dma_start3A_180 = arith.constant 0 : i32
    %dma_start3A_181 = tpu.memref_slice %arg5[%dma_start3A_176, %dma_start3A_180] : memref<256x100xi32, #tpu.memory_space<vmem>> -> memref<1x100xi32, #tpu.memory_space<vmem>>
    %dma_start3A_182 = tpu.memref_squeeze %dma_start3A_181 : memref<1x100xi32, #tpu.memory_space<vmem>> -> memref<100xi32, #tpu.memory_space<vmem>>
    %dma_start3A_183 = arith.constant 0 : i32
    %dma_start3A_184 = arith.constant 0 : i32
    %dma_start3A_185 = tpu.memref_slice %arg9[%dma_start3A_183, %dma_start3A_184] : memref<1001x128xf32, #tpu.memory_space<vmem_shared>> -> memref<1001x128xf32, #tpu.memory_space<vmem_shared>>
    tpu.enqueue_indirect_dma source(%dma_start3A_185 : memref<1001x128xf32, #tpu.memory_space<vmem_shared>>) target(%dma_start3A_179 : memref<100x128xf32, #tpu.memory_space<vmem>>) offsets(%dma_start3A_182 : memref<100xi32, #tpu.memory_space<vmem>>) semaphore(%arg11 : memref<!tpu.dma_semaphore, #tpu.memory_space<semaphore_mem>>)
    %dma_start3A_186 = arith.constant 255 : i32
    %dma_start3A_187 = arith.constant 100 : i32
    %dma_start3A_188 = arith.constant 0 : i32
    %dma_start3A_189 = tpu.memref_slice %arg7[%dma_start3A_187, %dma_start3A_188] : memref<200x128xf32, #tpu.memory_space<vmem>> -> memref<100x128xf32, #tpu.memory_space<vmem>>
    %dma_start3A_190 = arith.constant 0 : i32
    %dma_start3A_191 = tpu.memref_slice %arg5[%dma_start3A_186, %dma_start3A_190] : memref<256x100xi32, #tpu.memory_space<vmem>> -> memref<1x100xi32, #tpu.memory_space<vmem>>
    %dma_start3A_192 = tpu.memref_squeeze %dma_start3A_191 : memref<1x100xi32, #tpu.memory_space<vmem>> -> memref<100xi32, #tpu.memory_space<vmem>>
    %dma_start3A_193 = arith.constant 0 : i32
    %dma_start3A_194 = arith.constant 0 : i32
    %dma_start3A_195 = tpu.memref_slice %arg9[%dma_start3A_193, %dma_start3A_194] : memref<1001x128xf32, #tpu.memory_space<vmem_shared>> -> memref<1001x128xf32, #tpu.memory_space<vmem_shared>>
    tpu.enqueue_indirect_dma source(%dma_start3A_195 : memref<1001x128xf32, #tpu.memory_space<vmem_shared>>) target(%dma_start3A_189 : memref<100x128xf32, #tpu.memory_space<vmem>>) offsets(%dma_start3A_192 : memref<100xi32, #tpu.memory_space<vmem>>) semaphore(%arg11 : memref<!tpu.dma_semaphore, #tpu.memory_space<semaphore_mem>>)
    %dma_wait3A_196 = arith.constant 0 : i32
    %dma_wait3A_197 = arith.constant 0 : i32
    %dma_wait3A_198 = arith.constant 0 : i32
    %dma_wait3A_199 = tpu.memref_slice %arg6[%dma_wait3A_197, %dma_wait3A_198] : memref<200x128xf32, #tpu.memory_space<vmem>> -> memref<100x128xf32, #tpu.memory_space<vmem>>
    %dma_wait3A_200 = arith.constant 0 : i32
    %dma_wait3A_201 = tpu.memref_slice %arg5[%dma_wait3A_196, %dma_wait3A_200] : memref<256x100xi32, #tpu.memory_space<vmem>> -> memref<1x100xi32, #tpu.memory_space<vmem>>
    %dma_wait3A_202 = tpu.memref_squeeze %dma_wait3A_201 : memref<1x100xi32, #tpu.memory_space<vmem>> -> memref<100xi32, #tpu.memory_space<vmem>>
    %dma_wait3A_203 = arith.constant 0 : i32
    %dma_wait3A_204 = arith.constant 0 : i32
    %dma_wait3A_205 = tpu.memref_slice %arg3[%dma_wait3A_203, %dma_wait3A_204] : memref<1001x128xf32, #tpu.memory_space<hbm>> -> memref<1001x128xf32, #tpu.memory_space<hbm>>
    tpu.wait_indirect_dma semaphore(%arg10 : memref<!tpu.dma_semaphore, #tpu.memory_space<semaphore_mem>>) src(%dma_wait3A_205 : memref<1001x128xf32, #tpu.memory_space<hbm>>) dst(%dma_wait3A_199 : memref<100x128xf32, #tpu.memory_space<vmem>>)
    %dma_wait3A_206 = arith.constant 1 : i32
    %dma_wait3A_207 = arith.constant 100 : i32
    %dma_wait3A_208 = arith.constant 0 : i32
    %dma_wait3A_209 = tpu.memref_slice %arg6[%dma_wait3A_207, %dma_wait3A_208] : memref<200x128xf32, #tpu.memory_space<vmem>> -> memref<100x128xf32, #tpu.memory_space<vmem>>
    %dma_wait3A_210 = arith.constant 0 : i32
    %dma_wait3A_211 = tpu.memref_slice %arg5[%dma_wait3A_206, %dma_wait3A_210] : memref<256x100xi32, #tpu.memory_space<vmem>> -> memref<1x100xi32, #tpu.memory_space<vmem>>
    %dma_wait3A_212 = tpu.memref_squeeze %dma_wait3A_211 : memref<1x100xi32, #tpu.memory_space<vmem>> -> memref<100xi32, #tpu.memory_space<vmem>>
    %dma_wait3A_213 = arith.constant 0 : i32
    %dma_wait3A_214 = arith.constant 0 : i32
    %dma_wait3A_215 = tpu.memref_slice %arg3[%dma_wait3A_213, %dma_wait3A_214] : memref<1001x128xf32, #tpu.memory_space<hbm>> -> memref<1001x128xf32, #tpu.memory_space<hbm>>
    tpu.wait_indirect_dma semaphore(%arg10 : memref<!tpu.dma_semaphore, #tpu.memory_space<semaphore_mem>>) src(%dma_wait3A_215 : memref<1001x128xf32, #tpu.memory_space<hbm>>) dst(%dma_wait3A_209 : memref<100x128xf32, #tpu.memory_space<vmem>>)
    %add3A_216 = arith.constant 25200 : i32
    %add3A_217 = arith.addi %mul3A_2, %add3A_216 : i32
    %dma_start3A_218 = arith.constant 0 : i32
    %dma_start3A_219 = tpu.memref_slice %arg4[%add3A_217, %dma_start3A_218] : memref<819200x128xf32, #tpu.memory_space<hbm>> -> memref<200x128xf32, #tpu.memory_space<hbm>>
    %dma_start3A_220 = arith.constant 0 : i32
    %dma_start3A_221 = tpu.memref_slice %arg4[%add3A_217, %dma_start3A_220] : memref<819200x128xf32, #tpu.memory_space<hbm>> -> memref<200x128xf32, #tpu.memory_space<hbm>>
    tpu.enqueue_dma source(%arg6 : memref<200x128xf32, #tpu.memory_space<vmem>>) target(%dma_start3A_221 : memref<200x128xf32, #tpu.memory_space<hbm>>) target_semaphore(%arg13 : memref<!tpu.dma_semaphore, #tpu.memory_space<semaphore_mem>>)
    %dma_wait3A_222 = arith.constant 0 : i32
    %dma_wait3A_223 = tpu.memref_slice %arg4[%mul3A_2, %dma_wait3A_222] : memref<819200x128xf32, #tpu.memory_space<hbm>> -> memref<200x128xf32, #tpu.memory_space<hbm>>
    %dma_wait3A_224 = arith.constant 0 : i32
    %dma_wait3A_225 = tpu.memref_slice %arg4[%mul3A_2, %dma_wait3A_224] : memref<819200x128xf32, #tpu.memory_space<hbm>> -> memref<200x128xf32, #tpu.memory_space<hbm>>
    tpu.wait_dma2 semaphore(%arg15 : memref<!tpu.dma_semaphore, #tpu.memory_space<semaphore_mem>>) src(%arg8 : memref<200x128xf32, #tpu.memory_space<vmem>>) dst(%dma_wait3A_225 : memref<200x128xf32, #tpu.memory_space<hbm>>)
    %dma_wait3A_226 = arith.constant 0 : i32
    %dma_wait3A_227 = arith.constant 0 : i32
    %dma_wait3A_228 = arith.constant 0 : i32
    %dma_wait3A_229 = tpu.memref_slice %arg7[%dma_wait3A_227, %dma_wait3A_228] : memref<200x128xf32, #tpu.memory_space<vmem>> -> memref<100x128xf32, #tpu.memory_space<vmem>>
    %dma_wait3A_230 = arith.constant 0 : i32
    %dma_wait3A_231 = tpu.memref_slice %arg5[%dma_wait3A_226, %dma_wait3A_230] : memref<256x100xi32, #tpu.memory_space<vmem>> -> memref<1x100xi32, #tpu.memory_space<vmem>>
    %dma_wait3A_232 = tpu.memref_squeeze %dma_wait3A_231 : memref<1x100xi32, #tpu.memory_space<vmem>> -> memref<100xi32, #tpu.memory_space<vmem>>
    %dma_wait3A_233 = arith.constant 0 : i32
    %dma_wait3A_234 = arith.constant 0 : i32
    %dma_wait3A_235 = tpu.memref_slice %arg3[%dma_wait3A_233, %dma_wait3A_234] : memref<1001x128xf32, #tpu.memory_space<hbm>> -> memref<1001x128xf32, #tpu.memory_space<hbm>>
    tpu.wait_indirect_dma semaphore(%arg11 : memref<!tpu.dma_semaphore, #tpu.memory_space<semaphore_mem>>) src(%dma_wait3A_235 : memref<1001x128xf32, #tpu.memory_space<hbm>>) dst(%dma_wait3A_229 : memref<100x128xf32, #tpu.memory_space<vmem>>)
    %dma_wait3A_236 = arith.constant 1 : i32
    %dma_wait3A_237 = arith.constant 100 : i32
    %dma_wait3A_238 = arith.constant 0 : i32
    %dma_wait3A_239 = tpu.memref_slice %arg7[%dma_wait3A_237, %dma_wait3A_238] : memref<200x128xf32, #tpu.memory_space<vmem>> -> memref<100x128xf32, #tpu.memory_space<vmem>>
    %dma_wait3A_240 = arith.constant 0 : i32
    %dma_wait3A_241 = tpu.memref_slice %arg5[%dma_wait3A_236, %dma_wait3A_240] : memref<256x100xi32, #tpu.memory_space<vmem>> -> memref<1x100xi32, #tpu.memory_space<vmem>>
    %dma_wait3A_242 = tpu.memref_squeeze %dma_wait3A_241 : memref<1x100xi32, #tpu.memory_space<vmem>> -> memref<100xi32, #tpu.memory_space<vmem>>
    %dma_wait3A_243 = arith.constant 0 : i32
    %dma_wait3A_244 = arith.constant 0 : i32
    %dma_wait3A_245 = tpu.memref_slice %arg3[%dma_wait3A_243, %dma_wait3A_244] : memref<1001x128xf32, #tpu.memory_space<hbm>> -> memref<1001x128xf32, #tpu.memory_space<hbm>>
    tpu.wait_indirect_dma semaphore(%arg11 : memref<!tpu.dma_semaphore, #tpu.memory_space<semaphore_mem>>) src(%dma_wait3A_245 : memref<1001x128xf32, #tpu.memory_space<hbm>>) dst(%dma_wait3A_239 : memref<100x128xf32, #tpu.memory_space<vmem>>)
    %add3A_246 = arith.constant 25400 : i32
    %add3A_247 = arith.addi %mul3A_2, %add3A_246 : i32
    %dma_start3A_248 = arith.constant 0 : i32
    %dma_start3A_249 = tpu.memref_slice %arg4[%add3A_247, %dma_start3A_248] : memref<819200x128xf32, #tpu.memory_space<hbm>> -> memref<200x128xf32, #tpu.memory_space<hbm>>
    %dma_start3A_250 = arith.constant 0 : i32
    %dma_start3A_251 = tpu.memref_slice %arg4[%add3A_247, %dma_start3A_250] : memref<819200x128xf32, #tpu.memory_space<hbm>> -> memref<200x128xf32, #tpu.memory_space<hbm>>
    tpu.enqueue_dma source(%arg7 : memref<200x128xf32, #tpu.memory_space<vmem>>) target(%dma_start3A_251 : memref<200x128xf32, #tpu.memory_space<hbm>>) target_semaphore(%arg14 : memref<!tpu.dma_semaphore, #tpu.memory_space<semaphore_mem>>)
    %dma_wait3A_252 = arith.constant 0 : i32
    %dma_wait3A_253 = tpu.memref_slice %arg4[%mul3A_2, %dma_wait3A_252] : memref<819200x128xf32, #tpu.memory_space<hbm>> -> memref<200x128xf32, #tpu.memory_space<hbm>>
    %dma_wait3A_254 = arith.constant 0 : i32
    %dma_wait3A_255 = tpu.memref_slice %arg4[%mul3A_2, %dma_wait3A_254] : memref<819200x128xf32, #tpu.memory_space<hbm>> -> memref<200x128xf32, #tpu.memory_space<hbm>>
    tpu.wait_dma2 semaphore(%arg13 : memref<!tpu.dma_semaphore, #tpu.memory_space<semaphore_mem>>) src(%arg6 : memref<200x128xf32, #tpu.memory_space<vmem>>) dst(%dma_wait3A_255 : memref<200x128xf32, #tpu.memory_space<hbm>>)
    %dma_wait3A_256 = arith.constant 0 : i32
    %dma_wait3A_257 = tpu.memref_slice %arg4[%mul3A_2, %dma_wait3A_256] : memref<819200x128xf32, #tpu.memory_space<hbm>> -> memref<200x128xf32, #tpu.memory_space<hbm>>
    %dma_wait3A_258 = arith.constant 0 : i32
    %dma_wait3A_259 = tpu.memref_slice %arg4[%mul3A_2, %dma_wait3A_258] : memref<819200x128xf32, #tpu.memory_space<hbm>> -> memref<200x128xf32, #tpu.memory_space<hbm>>
    tpu.wait_dma2 semaphore(%arg14 : memref<!tpu.dma_semaphore, #tpu.memory_space<semaphore_mem>>) src(%arg7 : memref<200x128xf32, #tpu.memory_space<vmem>>) dst(%dma_wait3A_259 : memref<200x128xf32, #tpu.memory_space<hbm>>)
    return
  }
}

</mosaic_0001>

<sc_bundles>
// kernel: kernel.3.cloned.1.call-start
scs
__scs_entry_jumppad:
0x0: {  	(pc) =	sbr.rel $0x88, $3  }
0x1: {  	(tag) =	ssettag $0x0;
	lr =	simm.s32 $0x1  }
0x2: {  	[smem:$0x3F9F] =	sst lr;
	_ =	strace $0xD0000000  }
0x3: {  	_ = 	snop  }
0x4: {  	_ = 	snop  }
0x5: {  	_ = 	snop  }
0x6: {  	_ = 	snop  }
0x7: {  	_ = 	snop  }
__scs_overlays_trampoline_lowered:
0x8: {  	[smem:$0x3FAE] =	sst s0  }
0x9: {  	[smem:$0x3FAF] =	sst s1  }
0xa: {  	[smem:$0x3FB0] =	sst s2  }
0xb: {  	[smem:$0x3FB1] =	sst s3  }
0xc: {  	[smem:$0x3FB2] =	sst s4  }
0xd: {  	[smem:$0x3FB3] =	sst s5  }
0xe: {  	[smem:$0x3FB4] =	sst s6  }
0xf: {  	[smem:$0x3FB5] =	sst s7  }
0x10: {  	[smem:$0x3FB6] =	sst s8  }
0x11: {  	[smem:$0x3FB7] =	sst s9;
	s0 =	simm.s32 @!p0 $0x0  }
0x12: {  	s1 =	sld [smem:$0x3F9D];
	s0 =	simm.s32 @p0 $0x1  }
0x13: {  	[smem:$0x3FB8] =	sst s0;
	s0 =	simm.s32 @!p1 $0x0  }
0x14: {  	s2 =	sld [smem:$0x3F9C];
	s0 =	simm.s32 @p1 $0x1  }
0x15: {  	[smem:$0x3FB9] =	sst s0;
	s0 =	simm.s32 @!p2 $0x0  }
0x16: {  	s3 =	sld [smem:$0x3FDB];
	s0 =	simm.s32 @p2 $0x1  }
0x17: {  	s4 =	simm.s32 $0x1BF5;
	[smem:$0x3FBB] =	sst s0  }
0x18: {  	s0 =	sld [smem:$0x3F9E];
	_ =	swait.ge [sflag:s4], $0x0  }
0x19: {  	s7 =	sld [smem:$0x3F9F]  }
0x1a: {  	s8 =	sadd.s32 $0xFFFFE003, lr  }
0x1b: {  	s9 =	sadd.s32 $0xFFFFFEF7, lr;
	s5 =	simm.s32 $0xFFFFFFFF;
	p2 =	slt.u32 s8, $0xFFFFF086  }
0x1c: {  	p1 =	slt.u32 s9, $0xF7A;
	s5 =	simm.s32 @!p2 $0x0  }
0x1d: {  	s5 =	simm.s32 @p1 $0x1;
	p0 =	seq.s32 s7, s2  }
0x1e: {  	s7 =	smul.u32 @!p0 $0xF7A, s2;
	p2 =	seq.s32 @!p0 s5, $0x0  }
0x1f: {  	s9 =	smul.u32 $0xF7A, s1;
	s8 =	simm.s32 @!p0 $0x1BF5;
	p2 =	por !p2, p0  }
0x20: {  	[sflag:s8] =	ssyncset.s32 @!p0 $0xFFFFF086;
	s6 =	sadd.s32 @!p0 s3, s7;
	s7 =	simm.s32 @!p0 $0x108  }
0x21: {  	s3 =	sadd.s32 s3, s9;
	s6 =	sadd.s32 @!p0 $0x88, s6;
	s7 =	simm.s32 @p2 $0x1082  }
0x22: {  	[simem:s7], [sflag:s8] =	dma.local @!p0 [hbm:s6], $0xF7A  }
0x23: {  	s9 =	sor.u32 $0xD0000000, s2;
	s6 =	simm.s32 $0x108;
	_ =	swait.ge @!p0 [sflag:s8], $0x0  }
0x24: {  	s3 =	sadd.s32 $0x88, s3;
	s6 =	simm.s32 @!p1 $0x1082;
	[sflag:s4] =	ssyncset.s32 $0xFFFFF086  }
0x25: {  	[simem:s6], [sflag:s4] =	dma.local [hbm:s3], $0xF7A  }
0x26: {  	[smem:$0x3F9F] =	sst s1;
	(tag) =	ssettag s2;
	_ =	strace s9  }
0x27: {  	s1 =	sld [smem:$0x3FAF]  }
0x28: {  	s2 =	sld [smem:$0x3FB0]  }
0x29: {  	s4 =	sld [smem:$0x3FB2]  }
0x2a: {  	p0 =	seq.s32 s5, $0x0;
	s5 =	sld [smem:$0x3FB3]  }
0x2b: {  	s6 =	sld [smem:$0x3FB4]  }
0x2c: {  	s7 =	sld [smem:$0x3FB5]  }
0x2d: {  	s3 =	simm.s32 $0x108;
	s8 =	sld [smem:$0x3FB6]  }
0x2e: {  	s3 =	simm.s32 @!p0 $0x1082;
	s9 =	sld [smem:$0x3FB7]  }
0x2f: {  	lr =	sadd.s32 s0, s3;
	s0 =	sld [smem:$0x3FAE]  }
0x30: {  	s3 =	sld [smem:$0x3FB1]  }
0x31: {  	[smem:$0x3FBA] =	sst s10  }
0x32: {  	s10 =	sld [smem:$0x3FB8];
	_ =	sdelay $0x3  }
0x33: {  	p0 =	seq.s32 s10, $0x1;
	s10 =	sld [smem:$0x3FBA];
	_ =	sdelay $0x3  }
0x34: {  	[smem:$0x3FBA] =	sst s10  }
0x35: {  	s10 =	sld [smem:$0x3FB9];
	_ =	sdelay $0x3  }
0x36: {  	p1 =	seq.s32 s10, $0x1;
	s10 =	sld [smem:$0x3FBA];
	_ =	sdelay $0x3  }
0x37: {  	[smem:$0x3FBA] =	sst s10  }
0x38: {  	s10 =	sld [smem:$0x3FBB]  }
0x39: {  	_ = 	snop;
	(pc) =	sbr.ind lr, $3  }
0x3a: {  	_ = 	snop  }
0x3b: {  	_ = 	snop  }
0x3c: {  	p2 =	seq.s32 s10, $0x1;
	s10 =	sld [smem:$0x3FBA]  }
0x3d: {  	_ =	shalt  }
0x3e: {  	_ =	shalt  }
0x3f: {  	_ =	shalt  }
0x40: {  	_ =	shalt  }
0x41: {  	_ =	shalt  }
0x42: {  	_ =	shalt  }
0x43: {  	_ =	shalt  }
0x44: {  	_ =	shalt  }
0x45: {  	_ =	shalt  }
0x46: {  	_ =	shalt  }
0x47: {  	_ =	shalt  }
0x48: {  	_ =	shalt  }
0x49: {  	_ =	shalt  }
0x4a: {  	_ =	shalt  }
0x4b: {  	_ =	shalt  }
0x4c: {  	_ =	shalt  }
0x4d: {  	_ =	shalt  }
0x4e: {  	_ =	shalt  }
0x4f: {  	_ =	shalt  }
0x50: {  	_ =	shalt  }
0x51: {  	_ =	shalt  }
0x52: {  	_ =	shalt  }
0x53: {  	_ =	shalt  }
0x54: {  	_ =	shalt  }
0x55: {  	_ =	shalt  }
0x56: {  	_ =	shalt  }
0x57: {  	_ =	shalt  }
0x58: {  	_ =	shalt  }
0x59: {  	_ =	shalt  }
0x5a: {  	_ =	shalt  }
0x5b: {  	_ =	shalt  }
0x5c: {  	_ =	shalt  }
0x5d: {  	_ =	shalt  }
0x5e: {  	_ =	shalt  }
0x5f: {  	_ =	shalt  }
0x60: {  	_ =	shalt  }
0x61: {  	_ =	shalt  }
0x62: {  	_ =	shalt  }
0x63: {  	_ =	shalt  }
0x64: {  	_ =	shalt  }
0x65: {  	_ =	shalt  }
0x66: {  	_ =	shalt  }
0x67: {  	_ =	shalt  }
0x68: {  	_ =	shalt  }
0x69: {  	_ =	shalt  }
0x6a: {  	_ =	shalt  }
0x6b: {  	_ =	shalt  }
0x6c: {  	_ =	shalt  }
0x6d: {  	_ =	shalt  }
0x6e: {  	_ =	shalt  }
0x6f: {  	_ =	shalt  }
0x70: {  	_ =	shalt  }
0x71: {  	_ =	shalt  }
0x72: {  	_ =	shalt  }
0x73: {  	_ =	shalt  }
0x74: {  	_ =	shalt  }
0x75: {  	_ =	shalt  }
0x76: {  	_ =	shalt  }
0x77: {  	_ =	shalt  }
0x78: {  	_ =	shalt  }
0x79: {  	_ =	shalt  }
0x7a: {  	_ =	shalt  }
0x7b: {  	_ =	shalt  }
0x7c: {  	_ =	shalt  }
0x7d: {  	_ =	shalt  }
0x7e: {  	_ =	shalt  }
0x7f: {  	_ =	shalt  }
0x80: {  	_ =	shalt  }
0x81: {  	_ =	shalt  }
0x82: {  	_ =	shalt  }
0x83: {  	_ =	shalt  }
0x84: {  	_ =	shalt  }
0x85: {  	_ =	shalt  }
0x86: {  	_ =	shalt  }
0x87: {  	_ =	shalt  }
.Lfunc_end0:
.L_simem_size_0:
called_computation_lowered:
.L_overlay_start_0:
0x88: {  	s2 =	sld [smem:$0x3FD9]  }
0x89: {  	s3 =	sld [smem:$0x3FFE];
	_ =	sdelay $0x1  }
0x8a: {  	s1 =	srdreg.scid  }
0x8b: {  	s0 =	sand.u32 $0x1, s1  }
0x8c: {  	s17 =	sshll.u32 s0, $0xA;
	s2 =	sadd.s32 s3, s2  }
0x8d: {  	s2 =	sadd.s32 s2, s17  }
0x8e: {  	[smem:$0x3FC6] =	sst s2  }
0x8f: {  	_ = 	snop  }
0x90: {  	s2 =	sld [smem:$0x3FC8]  }
0x91: {  	s18 =	sld [smem:$0x3FD0];
	(tm) =	ssettm $0x1  }
0x92: {  	s4 =	sld [smem:$0x3FFB];
	_ =	sdelay $0x3  }
0x93: {  	_ =	strace s4  }
0x94: {  	s4 =	sld [smem:$0x3FFC];
	_ =	sdelay $0x3  }
0x95: {  	_ =	strace s4  }
0x96: {  	s4 =	sld [smem:$0x3FFD];
	_ =	sdelay $0x3  }
0x97: {  	_ =	strace s4  }
0x98: {  	_ =	strace $0x8FFFFFFF  }
0x99: {  	s19 =	sld [smem:$0x3FDB];
	_ =	sdelay $0x1  }
0x9a: {  	s5 =	simm.s32 $_scs_section_size  }
0x9b: {  	s6 =	simm.s32 $_size__tile_overlayer_lowered;
	s7 =	simm.s32 $_tile_overlayer_lowered  }
0x9c: {  	s22 =	simm.s32 $0x1BFF;
	s21 =	sshll.u32 s7, $0x1;
	s4 =	sadd.s32 s5, s19  }
0x9d: {  	s8 =	simm.s32 $0x0;
	s20 =	sshll.u32 s6, $0x1;
	s6 =	sadd.s32 s21, s4  }
0x9e: {  	[timem:s8], [sflag:s22] =	dma.local [hbm:s6], s20  }
0x9f: {  	_ =	swait.ge [sflag:s22], s20  }
0xa0: {  	s5 =	ssub.s32 $0x0, s20;
	[sflag:s22] =	ssyncset.done $0x0  }
0xa1: {  	[sflag:s22] =	ssyncadd.s32 s5;
	_ =	sdelay $0x1  }
0xa2: {  	s23 =	simm.s32 $0x1B8B  }
0xa3: {  	_ =	swait.ge [sflag:s23], $0x1  }
0xa4: {  	[sflag:s23] =	ssyncset.done $0x0  }
0xa5: {  	s25 =	simm.s32 $0x1B8E;
	s24 =	sld [smem:$0x3FFE];
	[sflag:s23] =	ssyncadd.s32 $0xFFFFFFFF  }
0xa6: {  	s26 =	simm.s32 $execute0_lowered;
	[smem:$0x3FD2] =	sst s25  }
0xa7: {  	s6 =	sshll.u32 s26, $0x1;
	_ =	strace $0x80000046;
	[dreg:$0x1] =	wrdreg $0xFFFFFFFF  }
0xa8: {  	s28 =	simm.s32 $_size_execute0_lowered;
	s4 =	sadd.s32 s4, s6;
	[dreg:$0x0] =	wrdreg $0x0  }
0xa9: {  	s6 =	sshll.u32 s28, $0x1;
	[dreg:$0x2] =	wrdreg s4  }
0xaa: {  	[dreg:$0x3] =	wrdreg s6  }
0xab: {  	[dreg:$0x4] =	wrdreg $0xC0  }
0xac: {  	_ =	task [dreg:s8], $0x5FFFF  }
0xad: {  	[dreg:$0x1] =	wrdreg $0xFFFFFFFF  }
0xae: {  	[dreg:$0x0] =	wrdreg $0x60  }
0xaf: {  	[dreg:$0x2] =	wrdreg s24  }
0xb0: {  	[dreg:$0x3] =	wrdreg s2  }
0xb1: {  	[dreg:$0x4] =	wrdreg s18  }
0xb2: {  	[dreg:$0x5] =	wrdreg $0x1AC000  }
0xb3: {  	[dreg:$0x6] =	wrdreg $0x9  }
0xb4: {  	_ =	task.clear_ibuf [dreg:s8], $0x7FFFF;
	_ =	strace $0x90000046  }
0xb5: {  	s29 =	simm.s32 $0x9;
	_ =	strace $0x80000048  }
0xb6: {  	_ =	swait.ge [sflag:s29], $0x1  }
0xb7: {  	[sflag:s29] =	ssyncadd.s32 $0xFFFFFFFF  }
0xb8: {  	_ =	strace $0x90000048  }
0xb9: {  	_ =	sfence  }
0xba: {  	s30 =	sld [smem:$0x0];
	_ =	sdelay $0x2  }
0xbb: {  	s31 =	sshll.u32 s1, $0xD;
	s1 =	sshrl.u32 s1, $0x2  }
0xbc: {  	s3 =	sand.u32 $0x4000, s31;
	s1 =	sadd.s32 s1, s30  }
0xbd: {  	s0 =	sor.u32 s3, s0;
	s1 =	sshll.u32 s1, $0x11  }
0xbe: {  	s0 =	sor.u32 s1, s0  }
0xbf: {  	s0 =	sadd.s32 $0x8F2B, s0  }
0xc0: {  	[sflag:s0] =	ssyncadd.remote.s32 $0x1  }
0xc1: {  	_ =	sfence.sel $0xFFFF  }
0xc2: {  	[dreg:$0x0] =	wrdreg $0xFFFFFFFF;
	(pc) =	sbr.abs _section_cstart, $3  }
0xc3: {  	[dreg:$0x1] =	wrdreg $0xFFFFFFFF  }
0xc4: {  	_ =	task.clear_ibuf [dreg:s8], $0x2FFFF;
	_ =	strace $0x9FFFFFFF  }
0xc5: {  	(tm) =	ssettm $0x7FFFFFFF  }
tec
execute0_lowered:
.L_overlay_start_1:
0x0: {  	(tag) =	ssettag $0x1  }
0x1: {  	s0 =	rddreg [dreg:$0x0]  }
0x2: {  	s1 =	rddreg [dreg:$0x2]  }
0x3: {  	s2 =	rddreg [dreg:$0x3]  }
0x4: {  	s4 =	srdreg.scid;
	s10 =	stileid.u32  }
0x5: {  	s3 =	simm.s32 $0x0;
	s13 =	simm.s32 $0x7;
	s14 =	simm.s32 $0x64  }
0x6: {  	s15 =	simm.s32 $0x8000;
	s17 =	simm.s32 $0xB200;
	s19 =	simm.s32 $0xE400  }
0x7: {  	s28 =	simm.s32 $0x2;
	s29 =	simm.s32 $0x4;
	s30 =	simm.s32 $0x3  }
0x8: {  	s31 =	simm.s32 $0x5;
	s20 =	simm.s32 $0x7F80;
	s7 =	sand.u32 $0x1, s4  }
0x9: {  	s21 =	sshll.u32 s10, $0x1;
	[smem:$0x7FF] =	sst s3;
	s9 =	smul.u32 $0xC8000, s10  }
0xa: {  	p0 =	sne.s32 s10, $0x0;
	s4 =	sor.u32 s7, s21;
	s6 =	ssub.s32 $0x2, s7  }
0xb: {  	_ =	strace $0x80000047;
	s12 =	smul.u32 $0x64000, s7;
	s21 =	simm.s32 $0x11600  }
0xc: {  	s5 =	sshll.u32 s4, $0xC;
	s8 =	smul.u32 $0x320000, s4;
	s22 =	sshrl.u32 s6, $0x1  }
0xd: {  	s23 =	smul.u32 $0x64000, s4;
	s0 =	sadd.s32 s5, s0;
	s11 =	ssub.s32 s6, s22  }
0xe: {  	s22 =	simm.s32 $0x1;
	s24 =	sshrl.u32 s8, $0x3;
	s4 =	sadd.s32 $0x400, s0  }
0xf: {  	s5 =	sadd.s32 s1, s23;
	s10 =	smax.u32 s11, $0x1;
	s0 =	simm.s32 $0x6  }
0x10: {  	s23 =	simm.s32 $0x0;
	s25 =	sadd.s32 s1, s24;
	s1 =	sadd.s32 s9, s1  }
0x11: {  	s24 =	simm.s32 $0x14800;
	s6 =	sadd.s32 $0x60E00, s25;
	s7 =	sadd.s32 $0x61A80, s25  }
0x12: {  	s8 =	sadd.s32 $0x62700, s25;
	s9 =	sadd.s32 $0x63380, s25;
	s26 =	sadd.s32 s12, s1  }
0x13: {  	s12 =	sshrl.u32 @!p0 s2, $0x3;
	s11 =	sadd.s32 $0x1900, s26;
	s26 =	simm.s32 $0x17A00  }
.LBB2_1:
0x14: {  	s1 =	simm.s32 @!p0 $0x1C07;
	s16 =	rddreg [dreg:$0x1]  }
0x15: {  	[spmem:s12], [sflag:s1] =	dma.local @!p0 [hbm:s16], $0x3E90  }
0x16: {  	s1 =	simm.s32 @!p0 $0x7  }
0x17: {  	_ =	swait.ge @!p0 [sflag:s1], $0x3E90  }
0x18: {  	[sflag:s1] =	ssyncset.done @!p0 $0x0  }
0x19: {  	[sflag:s1] =	ssyncadd.s32 @!p0 $0xFFFFC170  }
0x1a: {  	[tilespmem:s3], [sflag:$0x7] =	stream.linear.gather [hbm4b:s4+s3], $0x8000, $0x38;
	[tilespmem:$0x1CB48] =	vst v63  }
0x1b: {  	_ =	swait.ge [sflag:s13], $0x8000  }
0x1c: {  	[sflag:s13] =	ssyncset.done $0x0  }
0x1d: {  	[sflag:s13] =	ssyncadd.s32 $0xFFFF8000  }
0x1e: {  	[bflag:$0x0] =	sbarrier.arrive $0xFFFF  }
0x1f: {  	[tilespmem:s15], [sflag:$0x1] =	stream.indirect.gather [spmem:s2], $0x80, s3, s14, $0xb8;
	[tilespmem:$0x1CB48] =	vst v63  }
0x20: {  	s16 =	simm.s32 $0x80  }
0x21: {  	[tilespmem:s17], [sflag:$0x1] =	stream.indirect.gather [spmem:s2], $0x80, s16, s14, $0xb8;
	[tilespmem:$0x1CB48] =	vst v63  }
0x22: {  	s18 =	simm.s32 $0x100  }
0x23: {  	[tilespmem:s19], [sflag:$0x2] =	stream.indirect.gather [spmem:s2], $0x80, s18, s14, $0xb8;
	[tilespmem:$0x1CB48] =	vst v63  }
0x24: {  	s25 =	simm.s32 $0x180  }
0x25: {  	[tilespmem:s21], [sflag:$0x2] =	stream.indirect.gather [spmem:s2], $0x80, s25, s14, $0xb8;
	[tilespmem:$0x1CB48] =	vst v63  }
0x26: {  	_ =	swait.ge [sflag:s22], $0x3200  }
0x27: {  	[sflag:s22] =	ssyncset.done $0x0  }
0x28: {  	[sflag:s22] =	ssyncadd.s32 $0xFFFFCE00  }
0x29: {  	_ =	swait.ge [sflag:s22], $0x3200  }
0x2a: {  	[sflag:s22] =	ssyncset.done $0x0  }
0x2b: {  	[sflag:s22] =	ssyncadd.s32 $0xFFFFCE00  }
0x2c: {  	[hbm4b:s5+s3] =	stream.linear.scatter [tilespmem:s15], [sflag:$0x4], $0x6400, $0x38;
	[tilespmem:$0x1CB48] =	vst v63  }
0x2d: {  	s16 =	simm.s32 $0x200  }
0x2e: {  	[tilespmem:s24], [sflag:$0x3] =	stream.indirect.gather [spmem:s2], $0x80, s16, s14, $0xb8;
	[tilespmem:$0x1CB48] =	vst v63  }
0x2f: {  	s18 =	simm.s32 $0x280  }
0x30: {  	[tilespmem:s26], [sflag:$0x3] =	stream.indirect.gather [spmem:s2], $0x80, s18, s14, $0xb8;
	[tilespmem:$0x1CB48] =	vst v63  }
0x31: {  	_ =	swait.ge [sflag:s28], $0x3200  }
0x32: {  	[sflag:s28] =	ssyncset.done $0x0  }
0x33: {  	[sflag:s28] =	ssyncadd.s32 $0xFFFFCE00  }
0x34: {  	_ =	swait.ge [sflag:s28], $0x3200  }
0x35: {  	[sflag:s28] =	ssyncset.done $0x0  }
0x36: {  	s25 =	sadd.s32 $0xFFFFF380, s11;
	[sflag:s28] =	ssyncadd.s32 $0xFFFFCE00  }
0x37: {  	[hbm4b:s25+s3] =	stream.linear.scatter [tilespmem:s19], [sflag:$0x5], $0x6400, $0x38;
	[tilespmem:$0x1CB48] =	vst v63  }
0x38: {  	_ =	swait.ge [sflag:s29], $0x6400  }
0x39: {  	[sflag:s29] =	ssyncset.done $0x0  }
0x3a: {  	s16 =	simm.s32 $0x300;
	[sflag:s29] =	ssyncadd.s32 $0xFFFF9C00  }
0x3b: {  	[tilespmem:s15], [sflag:$0x1] =	stream.indirect.gather [spmem:s2], $0x80, s16, s14, $0xb8;
	[tilespmem:$0x1CB48] =	vst v63  }
0x3c: {  	s18 =	simm.s32 $0x380  }
0x3d: {  	[tilespmem:s17], [sflag:$0x1] =	stream.indirect.gather [spmem:s2], $0x80, s18, s14, $0xb8;
	[tilespmem:$0x1CB48] =	vst v63  }
0x3e: {  	_ =	swait.ge [sflag:s30], $0x3200  }
0x3f: {  	[sflag:s30] =	ssyncset.done $0x0  }
0x40: {  	[sflag:s30] =	ssyncadd.s32 $0xFFFFCE00  }
0x41: {  	_ =	swait.ge [sflag:s30], $0x3200  }
0x42: {  	[sflag:s30] =	ssyncset.done $0x0  }
0x43: {  	[sflag:s30] =	ssyncadd.s32 $0xFFFFCE00  }
0x44: {  	[hbm4b:s11+s3] =	stream.linear.scatter [tilespmem:s24], [sflag:$0x6], $0x6400, $0x38;
	[tilespmem:$0x1CB48] =	vst v63  }
0x45: {  	_ =	swait.ge [sflag:s31], $0x6400  }
0x46: {  	[sflag:s31] =	ssyncset.done $0x0  }
0x47: {  	s25 =	simm.s32 $0x400;
	[sflag:s31] =	ssyncadd.s32 $0xFFFF9C00  }
0x48: {  	[tilespmem:s19], [sflag:$0x2] =	stream.indirect.gather [spmem:s2], $0x80, s25, s14, $0xb8;
	[tilespmem:$0x1CB48] =	vst v63  }
0x49: {  	s16 =	simm.s32 $0x480  }
0x4a: {  	[tilespmem:s21], [sflag:$0x2] =	stream.indirect.gather [spmem:s2], $0x80, s16, s14, $0xb8;
	[tilespmem:$0x1CB48] =	vst v63  }
0x4b: {  	_ =	swait.ge [sflag:s22], $0x3200  }
0x4c: {  	[sflag:s22] =	ssyncset.done $0x0  }
0x4d: {  	[sflag:s22] =	ssyncadd.s32 $0xFFFFCE00  }
0x4e: {  	_ =	swait.ge [sflag:s22], $0x3200  }
0x4f: {  	[sflag:s22] =	ssyncset.done $0x0  }
0x50: {  	s18 =	sadd.s32 $0xC80, s11;
	[sflag:s22] =	ssyncadd.s32 $0xFFFFCE00  }
0x51: {  	[hbm4b:s18+s3] =	stream.linear.scatter [tilespmem:s15], [sflag:$0x4], $0x6400, $0x38;
	[tilespmem:$0x1CB48] =	vst v63  }
0x52: {  	_ =	swait.ge [sflag:s0], $0x6400  }
0x53: {  	[sflag:s0] =	ssyncset.done $0x0  }
0x54: {  	s25 =	simm.s32 $0x500;
	[sflag:s0] =	ssyncadd.s32 $0xFFFF9C00  }
0x55: {  	[tilespmem:s24], [sflag:$0x3] =	stream.indirect.gather [spmem:s2], $0x80, s25, s14, $0xb8;
	[tilespmem:$0x1CB48] =	vst v63  }
0x56: {  	s1 =	sadd.s32 $0x2580, s11;
	s16 =	simm.s32 $0x580;
	s25 =	simm.s32 $0xC00  }
.LBB2_2:
0x57: {  	[tilespmem:s26], [sflag:$0x3] =	stream.indirect.gather [spmem:s2], $0x80, s16, s14, $0xb8;
	[tilespmem:$0x1CB48] =	vst v63  }
0x58: {  	s16 =	smov.u32 s25  }
0x59: {  	p1 =	sne.s32 s25, $0x1E000;
	s25 =	sadd.s32 $0xC00, s25;
	_ =	swait.ge [sflag:s28], $0x3200  }
0x5a: {  	[sflag:s28] =	ssyncset.done $0x0  }
0x5b: {  	[sflag:s28] =	ssyncadd.s32 $0xFFFFCE00  }
0x5c: {  	_ =	swait.ge [sflag:s28], $0x3200  }
0x5d: {  	[sflag:s28] =	ssyncset.done $0x0  }
0x5e: {  	s18 =	sadd.s32 $0xFFFFF380, s1;
	[sflag:s28] =	ssyncadd.s32 $0xFFFFCE00  }
0x5f: {  	[hbm4b:s18+s3] =	stream.linear.scatter [tilespmem:s19], [sflag:$0x5], $0x6400, $0x38;
	[tilespmem:$0x1CB48] =	vst v63  }
0x60: {  	_ =	swait.ge [sflag:s29], $0x6400  }
0x61: {  	s16 =	sshra.s32 s16, $0x2;
	[sflag:s29] =	ssyncset.done $0x0  }
0x62: {  	s18 =	sadd.s32 $0x300, s16;
	[sflag:s29] =	ssyncadd.s32 $0xFFFF9C00  }
0x63: {  	[tilespmem:s15], [sflag:$0x1] =	stream.indirect.gather [spmem:s2], $0x80, s18, s14, $0xb8;
	[tilespmem:$0x1CB48] =	vst v63  }
0x64: {  	s18 =	sadd.s32 $0x380, s16  }
0x65: {  	[tilespmem:s17], [sflag:$0x1] =	stream.indirect.gather [spmem:s2], $0x80, s18, s14, $0xb8;
	[tilespmem:$0x1CB48] =	vst v63  }
0x66: {  	_ =	swait.ge [sflag:s30], $0x3200  }
0x67: {  	[sflag:s30] =	ssyncset.done $0x0  }
0x68: {  	[sflag:s30] =	ssyncadd.s32 $0xFFFFCE00  }
0x69: {  	_ =	swait.ge [sflag:s30], $0x3200  }
0x6a: {  	[sflag:s30] =	ssyncset.done $0x0  }
0x6b: {  	[sflag:s30] =	ssyncadd.s32 $0xFFFFCE00  }
0x6c: {  	[hbm4b:s1+s3] =	stream.linear.scatter [tilespmem:s24], [sflag:$0x6], $0x6400, $0x38;
	[tilespmem:$0x1CB48] =	vst v63  }
0x6d: {  	_ =	swait.ge [sflag:s31], $0x6400  }
0x6e: {  	[sflag:s31] =	ssyncset.done $0x0  }
0x6f: {  	s18 =	sadd.s32 $0x400, s16;
	[sflag:s31] =	ssyncadd.s32 $0xFFFF9C00  }
0x70: {  	[tilespmem:s19], [sflag:$0x2] =	stream.indirect.gather [spmem:s2], $0x80, s18, s14, $0xb8;
	[tilespmem:$0x1CB48] =	vst v63  }
0x71: {  	s18 =	sadd.s32 $0x480, s16  }
0x72: {  	[tilespmem:s21], [sflag:$0x2] =	stream.indirect.gather [spmem:s2], $0x80, s18, s14, $0xb8;
	[tilespmem:$0x1CB48] =	vst v63  }
0x73: {  	_ =	swait.ge [sflag:s22], $0x3200  }
0x74: {  	[sflag:s22] =	ssyncset.done $0x0  }
0x75: {  	[sflag:s22] =	ssyncadd.s32 $0xFFFFCE00  }
0x76: {  	_ =	swait.ge [sflag:s22], $0x3200  }
0x77: {  	[sflag:s22] =	ssyncset.done $0x0  }
0x78: {  	s18 =	sadd.s32 $0xC80, s1;
	[sflag:s22] =	ssyncadd.s32 $0xFFFFCE00  }
0x79: {  	[hbm4b:s18+s3] =	stream.linear.scatter [tilespmem:s15], [sflag:$0x4], $0x6400, $0x38;
	[tilespmem:$0x1CB48] =	vst v63  }
.Ltmp0:
0x7a: {  	_ =	swait.ge [sflag:s0], $0x6400;
	(pc) =	sbr.rel @p1 .LBB2_2-.Ltmp0, $4  }
0x7b: {  	[sflag:s0] =	ssyncset.done $0x0  }
0x7c: {  	s18 =	sadd.s32 $0x500, s16;
	[sflag:s0] =	ssyncadd.s32 $0xFFFF9C00  }
0x7d: {  	[tilespmem:s24], [sflag:$0x3] =	stream.indirect.gather [spmem:s2], $0x80, s18, s14, $0xb8;
	[tilespmem:$0x1CB48] =	vst v63  }
0x7e: {  	s1 =	sadd.s32 $0x2580, s1;
	s16 =	sadd.s32 $0x580, s16  }
0x7f: {  	[tilespmem:s26], [sflag:$0x3] =	stream.indirect.gather [spmem:s2], $0x80, s16, s14, $0xb8;
	[tilespmem:$0x1CB48] =	vst v63  }
0x80: {  	_ =	swait.ge [sflag:s28], $0x3200  }
0x81: {  	[sflag:s28] =	ssyncset.done $0x0  }
0x82: {  	[sflag:s28] =	ssyncadd.s32 $0xFFFFCE00  }
0x83: {  	_ =	swait.ge [sflag:s28], $0x3200  }
0x84: {  	[sflag:s28] =	ssyncset.done $0x0  }
0x85: {  	[sflag:s28] =	ssyncadd.s32 $0xFFFFCE00  }
0x86: {  	[hbm4b:s6+s3] =	stream.linear.scatter [tilespmem:s19], [sflag:$0x5], $0x6400, $0x38;
	[tilespmem:$0x1CB48] =	vst v63  }
0x87: {  	_ =	swait.ge [sflag:s29], $0x6400  }
0x88: {  	[sflag:s29] =	ssyncset.done $0x0  }
0x89: {  	s1 =	simm.s32 $0x7E00;
	[sflag:s29] =	ssyncadd.s32 $0xFFFF9C00  }
0x8a: {  	[tilespmem:s15], [sflag:$0x1] =	stream.indirect.gather [spmem:s2], $0x80, s1, s14, $0xb8;
	[tilespmem:$0x1CB48] =	vst v63  }
0x8b: {  	s18 =	simm.s32 $0x7E80  }
0x8c: {  	[tilespmem:s17], [sflag:$0x1] =	stream.indirect.gather [spmem:s2], $0x80, s18, s14, $0xb8;
	[tilespmem:$0x1CB48] =	vst v63  }
0x8d: {  	_ =	swait.ge [sflag:s30], $0x3200  }
0x8e: {  	[sflag:s30] =	ssyncset.done $0x0  }
0x8f: {  	[sflag:s30] =	ssyncadd.s32 $0xFFFFCE00  }
0x90: {  	_ =	swait.ge [sflag:s30], $0x3200  }
0x91: {  	[sflag:s30] =	ssyncset.done $0x0  }
0x92: {  	[sflag:s30] =	ssyncadd.s32 $0xFFFFCE00  }
0x93: {  	[hbm4b:s7+s3] =	stream.linear.scatter [tilespmem:s24], [sflag:$0x6], $0x6400, $0x38;
	[tilespmem:$0x1CB48] =	vst v63  }
0x94: {  	_ =	swait.ge [sflag:s31], $0x6400  }
0x95: {  	[sflag:s31] =	ssyncset.done $0x0  }
0x96: {  	s25 =	simm.s32 $0x7F00;
	[sflag:s31] =	ssyncadd.s32 $0xFFFF9C00  }
0x97: {  	[tilespmem:s19], [sflag:$0x2] =	stream.indirect.gather [spmem:s2], $0x80, s25, s14, $0xb8;
	[tilespmem:$0x1CB48] =	vst v63  }
0x98: {  	_ = 	snop  }
0x99: {  	[tilespmem:s21], [sflag:$0x2] =	stream.indirect.gather [spmem:s2], $0x80, s20, s14, $0xb8;
	[tilespmem:$0x1CB48] =	vst v63  }
0x9a: {  	_ =	swait.ge [sflag:s22], $0x3200  }
0x9b: {  	[sflag:s22] =	ssyncset.done $0x0  }
0x9c: {  	[sflag:s22] =	ssyncadd.s32 $0xFFFFCE00  }
0x9d: {  	_ =	swait.ge [sflag:s22], $0x3200  }
0x9e: {  	[sflag:s22] =	ssyncset.done $0x0  }
0x9f: {  	[sflag:s22] =	ssyncadd.s32 $0xFFFFCE00  }
0xa0: {  	[hbm4b:s8+s3] =	stream.linear.scatter [tilespmem:s15], [sflag:$0x4], $0x6400, $0x38;
	[tilespmem:$0x1CB48] =	vst v63  }
0xa1: {  	_ =	swait.ge [sflag:s0], $0x6400  }
0xa2: {  	[sflag:s0] =	ssyncset.done $0x0  }
0xa3: {  	[sflag:s0] =	ssyncadd.s32 $0xFFFF9C00  }
0xa4: {  	_ =	swait.ge [sflag:s28], $0x3200  }
0xa5: {  	[sflag:s28] =	ssyncset.done $0x0  }
0xa6: {  	[sflag:s28] =	ssyncadd.s32 $0xFFFFCE00  }
0xa7: {  	_ =	swait.ge [sflag:s28], $0x3200  }
0xa8: {  	[sflag:s28] =	ssyncset.done $0x0  }
0xa9: {  	s23 =	sadd.s32 $0x1, s23;
	[sflag:s28] =	ssyncadd.s32 $0xFFFFCE00  }
0xaa: {  	[hbm4b:s9+s3] =	stream.linear.scatter [tilespmem:s19], [sflag:$0x5], $0x6400, $0x38;
	[tilespmem:$0x1CB48] =	vst v63  }
0xab: {  	p1 =	sne.s32 s23, s10;
	_ =	swait.ge [sflag:s29], $0x6400  }
.Ltmp1:
0xac: {  	[sflag:s29] =	ssyncset.done $0x0;
	(pc) =	sbr.rel @p1 .LBB2_1-.Ltmp1, $4  }
0xad: {  	[sflag:s29] =	ssyncadd.s32 $0xFFFF9C00  }
0xae: {  	_ =	swait.ge [sflag:s31], $0x6400  }
0xaf: {  	[sflag:s31] =	ssyncset.done $0x0  }
0xb0: {  	[sflag:s31] =	ssyncadd.s32 $0xFFFF9C00  }
0xb1: {  	_ =	sfence.sel $0x180000  }
0xb2: {  	[bflag:$0x0] =	sbarrier.arrive $0xFFFF  }
0xb3: {  	_ =	strace $0x90000047  }
0xb4: {  	[bflag:$0x2] =	sbarrier.arrive $0xFFFF  }
0xb5: {  	s0 =	rddreg [dreg:$0x4]  }
0xb6: {  	s0 =	sadd.s32 @!p0 $0x100000, s0  }
0xb7: {  	[sflag:s0] =	ssyncadd.tile.s32 @!p0 $0x1;
	_ =	shalt  }
.Lfunc_end2:
_tile_overlayer_lowered:
.L_overlay_start_2:
0xb8: {  	(tag) =	ssettag $0x2  }
0xb9: {  	s0 =	rddreg [dreg:$0x0];
	s2 =	stileid.u32  }
0xba: {  	s1 =	rddreg [dreg:$0x1];
	p0 =	sne.s32 s2, $0x0  }
0xbb: {  	s3 =	rddreg [dreg:$0x2];
	[bflag:$0x3] =	sbarrier.arrive $0xFFFF;
	s2 =	simm.s32 @!p0 $0x1C07  }
0xbc: {  	[timem:s3], [sflag:s2] =	dma.local @!p0 [hbm:s0], s1  }
0xbd: {  	s0 =	simm.s32 @!p0 $0x7  }
0xbe: {  	_ =	swait.ge @!p0 [sflag:s0], s1  }
0xbf: {  	s1 =	ssub.s32 @!p0 $0x0, s1;
	[sflag:s0] =	ssyncset.done @!p0 $0x0  }
0xc0: {  	[sflag:s0] =	ssyncadd.s32 @!p0 s1  }
0xc1: {  	[bflag:$0x3] =	sbarrier.arrive $0xFFFF  }
0xc2: {  	_ =	shalt  }

</sc_bundles>
